<compile_context>
chip_gen: v7x
topology: tpu7x:2x2x1
jax: 0.10.2.dev20260603
libtpu: 0.0.44.dev20260713+nightly
codegen_flags: <defaults>
</compile_context>

<pallas_src>
import math

import jax
import jax.numpy as jnp
from jax import lax
from jax.experimental import pallas as pl
from jax.experimental.pallas import tpu as pltpu
from jax.experimental.pallas import tpu_sc as plsc

B = 64
T = 512
D = 1024
PAD = 1
SCALE = math.sqrt(D)
NW = 32
TCH = T // NW
NL = 16
NCH = D // NL

NEG_INF = float("-inf")


def _body(x_hbm, y_hbm, w_hbm, pos_hbm,
          xe_hbm, ms_hbm, ye_hbm, mt_hbm,
          pos_v, idx_x, idx_y, rows_x, rows_y, msk_x, msk_y,
          semi, semg_x, semg_y, sems_x, sems_y):
    c = lax.axis_index("c")
    s = lax.axis_index("s")
    wid = s * 2 + c
    t0 = pl.multiple_of(wid * TCH, TCH)

    def fire_ids(b, carry):
        off = pl.multiple_of(b * T + t0, TCH)
        pltpu.async_copy(x_hbm.at[pl.ds(off, TCH)], idx_x.at[b], semi)
        pltpu.async_copy(y_hbm.at[pl.ds(off, TCH)], idx_y.at[b], semi)
        return carry

    lax.fori_loop(0, B, fire_ids, 0)

    pltpu.sync_copy(pos_hbm.at[pl.ds(t0, TCH)], pos_v)

    def drain_ids(b, carry):
        pltpu.make_async_copy(x_hbm.at[pl.ds(0, TCH)], idx_x.at[b],
                              semi).wait()
        pltpu.make_async_copy(y_hbm.at[pl.ds(0, TCH)], idx_y.at[b],
                              semi).wait()
        return carry

    lax.fori_loop(0, B, drain_ids, 0)

    def fire(b, p):
        pltpu.async_copy(w_hbm.at[idx_x.at[b]], rows_x.at[p], semg_x.at[p])
        pltpu.async_copy(w_hbm.at[idx_y.at[b]], rows_y.at[p], semg_y.at[p])

    def wait_gather(p):
        pltpu.make_async_copy(w_hbm.at[idx_x.at[0]], rows_x.at[p],
                              semg_x.at[p]).wait()
        pltpu.make_async_copy(w_hbm.at[idx_y.at[0]], rows_y.at[p],
                              semg_y.at[p]).wait()

    def store(b, p):
        pltpu.async_copy(rows_x.at[p], xe_hbm.at[b, pl.ds(t0, TCH)],
                         sems_x.at[p])
        pltpu.async_copy(rows_y.at[p], ye_hbm.at[b, pl.ds(t0, TCH)],
                         sems_y.at[p])

    def wait_store(p):
        pltpu.make_async_copy(rows_x.at[p], xe_hbm.at[0, pl.ds(t0, TCH)],
                              sems_x.at[p]).wait()
        pltpu.make_async_copy(rows_y.at[p], ye_hbm.at[0, pl.ds(t0, TCH)],
                              sems_y.at[p]).wait()

    fire(0, 0)

    def batch_step(b, carry):
        p = b & 1
        q = 1 - p

        @pl.when(b < B - 1)
        def _():
            @pl.when(b >= 1)
            def _():
                wait_store(q)

            fire(b + 1, q)

        wait_gather(p)

        vx = idx_x[b, :]
        vy = idx_y[b, :]
        msk_x[b, :] = jnp.where(vx == PAD, NEG_INF, 0.0)
        msk_y[b, :] = jnp.where(vy == PAD, NEG_INF, 0.0)

        @plsc.parallel_loop(0, TCH * NCH, 1, unroll=8)
        def compute(i):
            r = i >> 6
            o = (i & (NCH - 1)) * NL
            pv = pos_v[r, pl.ds(o, NL)]
            rows_x[p, r, pl.ds(o, NL)] = rows_x[p, r, pl.ds(o, NL)] * SCALE + pv
            rows_y[p, r, pl.ds(o, NL)] = rows_y[p, r, pl.ds(o, NL)] * SCALE + pv

        store(b, p)
        return carry

    lax.fori_loop(0, B, batch_step, 0)
    wait_store(0)
    wait_store(1)

    pltpu.sync_copy(msk_x, ms_hbm.at[wid])
    pltpu.sync_copy(msk_y, mt_hbm.at[wid])


@jax.jit
def kernel(x, y, W, pos_w):
    mesh = plsc.VectorSubcoreMesh(core_axis_name="c", subcore_axis_name="s")
    f = pl.kernel(
        _body,
        out_type=[
            jax.ShapeDtypeStruct((B, T, D), jnp.float32),
            jax.ShapeDtypeStruct((NW, B, TCH), jnp.float32),
            jax.ShapeDtypeStruct((B, T, D), jnp.float32),
            jax.ShapeDtypeStruct((NW, B, TCH), jnp.float32),
        ],
        mesh=mesh,
        scratch_types=[
            pltpu.VMEM((TCH, D), jnp.float32),
            pltpu.VMEM((B, TCH), jnp.int32),
            pltpu.VMEM((B, TCH), jnp.int32),
            pltpu.VMEM((2, TCH, D), jnp.float32),
            pltpu.VMEM((2, TCH, D), jnp.float32),
            pltpu.VMEM((B, TCH), jnp.float32),
            pltpu.VMEM((B, TCH), jnp.float32),
            pltpu.SemaphoreType.DMA,
            pltpu.SemaphoreType.DMA((2,)),
            pltpu.SemaphoreType.DMA((2,)),
            pltpu.SemaphoreType.DMA((2,)),
            pltpu.SemaphoreType.DMA((2,)),
        ],
    )
    xf = x.reshape(-1)
    yf = y.reshape(-1)
    x_emb, msk3, ye_full, mtk3 = f(xf, yf, W, pos_w)
    mask_src = msk3.transpose(1, 0, 2).reshape(B, T)
    mask_tgt = mtk3.transpose(1, 0, 2).reshape(B, T)[:, : T - 1]
    y_emb = ye_full[:, : T - 1]
    labels = y[:, 1:]
    return (x_emb, mask_src, mask_src, y_emb, mask_tgt, labels)

# --- scband reference (transcript-rebuilt; emitter-appended) ---
"""Pipeline reference for scband-pre-continuous-block-83743272337609 (READ-ONLY COPY).

The authoritative reference and input builder live on the scoring server;
editing this copy changes nothing except your own understanding.
"""

import jax, jax.numpy as jnp
import numpy as np

VOCAB = 100000
DIM = 1024
MAX_POS = 512
PAD = 1


def make_sinusoidal(n_pos, dim):
    # Marian-style sinusoidal positional embedding weight
    position_enc = np.array(
        [[pos / np.power(10000, 2 * (j // 2) / dim) for j in range(dim)] for pos in range(n_pos)],
        dtype=np.float64,
    )
    out = np.zeros((n_pos, dim), dtype=np.float32)
    sentinel = dim // 2
    out[:, :sentinel] = np.sin(position_enc[:, 0::2])
    out[:, sentinel:] = np.cos(position_enc[:, 1::2])
    return jnp.asarray(out)


def setup_inputs(seed: int = 0) -> dict:
    key = jax.random.key(seed)
    k1, k2, k3 = jax.random.split(key, 3)
    x = jax.random.randint(k1, (64, 512), 0, VOCAB, dtype=jnp.int64 if jax.config.jax_enable_x64 else jnp.int32)
    y = jax.random.randint(k2, (64, 512), 0, VOCAB, dtype=jnp.int64 if jax.config.jax_enable_x64 else jnp.int32)
    W = jax.random.normal(k3, (VOCAB, DIM), dtype=jnp.float32) * 0.02
    W = W.at[PAD].set(0.0)  # padding_idx row zeroed, matching nn.Embedding(padding_idx=PAD)
    pos_w = make_sinusoidal(MAX_POS, DIM)
    return {"x": x, "y": y, "W": W, "pos_w": pos_w}


def reference(x, y, W, pos_w):
    scale = np.sqrt(DIM)

    # embed_src
    mask_pad_src = jnp.where(x == PAD, -np.inf, 0.0)
    mask_pad_mem = mask_pad_src
    x_emb = jnp.take(W, x, axis=0) * scale
    x_emb = x_emb + pos_w[: x.shape[1]][None, :, :]

    # embed_tgt (split_target=True)
    tgt = y[:, :-1]
    labels = y[:, 1:]
    mask_pad_tgt = jnp.where(tgt == PAD, -np.inf, 0.0)
    y_emb = jnp.take(W, tgt, axis=0) * scale
    y_emb = y_emb + pos_w[: tgt.shape[1]][None, :, :]

    return (x_emb, mask_pad_src, mask_pad_mem, y_emb, mask_pad_tgt, labels)

if __name__ == "__main__":
    import jax
    _d = setup_inputs()
    print(jax.jit(kernel)(*tuple(_d.values())))

</pallas_src>

<mosaic_0001>
#map = affine_map<(d0, d1) -> (0)>
#map1 = affine_map<(d0, d1) -> (0, 0)>
#map2 = affine_map<(d0, d1) -> (0, 0, 0)>
module attributes {stable_mosaic.version = 14 : i64} {
  func.func @_body(%arg0: i32, %arg1: i32, %arg2: memref<32768xi32, #tpu.memory_space<hbm>>, %arg3: memref<32768xi32, #tpu.memory_space<hbm>>, %arg4: memref<100000x1024xf32, #tpu.memory_space<hbm>>, %arg5: memref<512x1024xf32, #tpu.memory_space<hbm>>, %arg6: memref<64x512x1024xf32, #tpu.memory_space<hbm>>, %arg7: memref<32x64x16xf32, #tpu.memory_space<hbm>>, %arg8: memref<64x512x1024xf32, #tpu.memory_space<hbm>>, %arg9: memref<32x64x16xf32, #tpu.memory_space<hbm>>, %arg10: memref<16x1024xf32, #tpu.memory_space<vmem>>, %arg11: memref<64x16xi32, #tpu.memory_space<vmem>>, %arg12: memref<64x16xi32, #tpu.memory_space<vmem>>, %arg13: memref<2x16x1024xf32, #tpu.memory_space<vmem>>, %arg14: memref<2x16x1024xf32, #tpu.memory_space<vmem>>, %arg15: memref<64x16xf32, #tpu.memory_space<vmem>>, %arg16: memref<64x16xf32, #tpu.memory_space<vmem>>, %arg17: memref<!tpu.dma_semaphore, #tpu.memory_space<semaphore_mem>>, %arg18: memref<2x!tpu.dma_semaphore, #tpu.memory_space<semaphore_mem>>, %arg19: memref<2x!tpu.dma_semaphore, #tpu.memory_space<semaphore_mem>>, %arg20: memref<2x!tpu.dma_semaphore, #tpu.memory_space<semaphore_mem>>, %arg21: memref<2x!tpu.dma_semaphore, #tpu.memory_space<semaphore_mem>>) attributes {dimension_semantics = [#tpu.dimension_semantics<core_parallel>, #tpu.dimension_semantics<subcore_parallel>], iteration_bounds = array<i64: 2, 16>, scalar_prefetch = 0 : i64, scratch_operands = 12 : i64, tpu.core_type = #tpu.core_type<sc_vector_subcore>, window_params = [{transform_indices = #map}, {transform_indices = #map}, {transform_indices = #map1}, {transform_indices = #map1}, {transform_indices = #map2}, {transform_indices = #map2}, {transform_indices = #map2}, {transform_indices = #map2}]} {
    %mul3A = arith.constant 2 : i32
    %mul3A_0 = arith.muli %arg1, %mul3A : i32
    %add3A = arith.addi %mul3A_0, %arg0 : i32
    %mul3A_1 = arith.constant 16 : i32
    %mul3A_2 = arith.muli %add3A, %mul3A_1 : i32
    %multiple_of3A = tpu.assume_multiple %mul3A_2, 16 : i32
    %scan3A = arith.constant 0 : i32
    %scan3A_3 = arith.constant 0 : i32
    %scan3A_4 = arith.constant 64 : i32
    %scan3A_5 = arith.addi %scan3A_3, %scan3A_4 : i32
    %scan3A_6 = arith.constant 1 : i32
    scf.for %scan3A_124 = %scan3A_3 to %scan3A_5 step %scan3A_6  : i32 {
      %mul3A_125 = arith.constant 512 : i32
      %mul3A_126 = arith.muli %scan3A_124, %mul3A_125 : i32
      %add3A_127 = arith.addi %mul3A_126, %multiple_of3A : i32
      %multiple_of3A_128 = tpu.assume_multiple %add3A_127, 16 : i32
      %dma_start3A_129 = arith.constant 0 : i32
      %dma_start3A_130 = tpu.memref_slice %arg11[%scan3A_124, %dma_start3A_129] : memref<64x16xi32, #tpu.memory_space<vmem>> -> memref<1x16xi32, #tpu.memory_space<vmem>>
      %dma_start3A_131 = tpu.memref_squeeze %dma_start3A_130 : memref<1x16xi32, #tpu.memory_space<vmem>> -> memref<16xi32, #tpu.memory_space<vmem>>
      %dma_start3A_132 = tpu.memref_slice %arg2[%multiple_of3A_128] : memref<32768xi32, #tpu.memory_space<hbm>> -> memref<16xi32, #tpu.memory_space<hbm>>
      %dma_start3A_133 = arith.constant 0 : i32
      %dma_start3A_134 = tpu.memref_slice %arg11[%scan3A_124, %dma_start3A_133] : memref<64x16xi32, #tpu.memory_space<vmem>> -> memref<1x16xi32, #tpu.memory_space<vmem>>
      %dma_start3A_135 = tpu.memref_squeeze %dma_start3A_134 : memref<1x16xi32, #tpu.memory_space<vmem>> -> memref<16xi32, #tpu.memory_space<vmem>>
      %dma_start3A_136 = tpu.memref_slice %arg2[%multiple_of3A_128] : memref<32768xi32, #tpu.memory_space<hbm>> -> memref<16xi32, #tpu.memory_space<hbm>>
      tpu.enqueue_dma source(%dma_start3A_136 : memref<16xi32, #tpu.memory_space<hbm>>) target(%dma_start3A_135 : memref<16xi32, #tpu.memory_space<vmem>>) target_semaphore(%arg17 : memref<!tpu.dma_semaphore, #tpu.memory_space<semaphore_mem>>)
      %dma_start3A_137 = arith.constant 0 : i32
      %dma_start3A_138 = tpu.memref_slice %arg12[%scan3A_124, %dma_start3A_137] : memref<64x16xi32, #tpu.memory_space<vmem>> -> memref<1x16xi32, #tpu.memory_space<vmem>>
      %dma_start3A_139 = tpu.memref_squeeze %dma_start3A_138 : memref<1x16xi32, #tpu.memory_space<vmem>> -> memref<16xi32, #tpu.memory_space<vmem>>
      %dma_start3A_140 = tpu.memref_slice %arg3[%multiple_of3A_128] : memref<32768xi32, #tpu.memory_space<hbm>> -> memref<16xi32, #tpu.memory_space<hbm>>
      %dma_start3A_141 = arith.constant 0 : i32
      %dma_start3A_142 = tpu.memref_slice %arg12[%scan3A_124, %dma_start3A_141] : memref<64x16xi32, #tpu.memory_space<vmem>> -> memref<1x16xi32, #tpu.memory_space<vmem>>
      %dma_start3A_143 = tpu.memref_squeeze %dma_start3A_142 : memref<1x16xi32, #tpu.memory_space<vmem>> -> memref<16xi32, #tpu.memory_space<vmem>>
      %dma_start3A_144 = tpu.memref_slice %arg3[%multiple_of3A_128] : memref<32768xi32, #tpu.memory_space<hbm>> -> memref<16xi32, #tpu.memory_space<hbm>>
      tpu.enqueue_dma source(%dma_start3A_144 : memref<16xi32, #tpu.memory_space<hbm>>) target(%dma_start3A_143 : memref<16xi32, #tpu.memory_space<vmem>>) target_semaphore(%arg17 : memref<!tpu.dma_semaphore, #tpu.memory_space<semaphore_mem>>)
    }
    %scan3A_7 = arith.constant 64 : i32
    "tpu.region"() ({
      %run_scoped3A = tpu.sem_alloc : memref<!tpu.dma_semaphore, #tpu.memory_space<semaphore_mem>>
      %dma_start3A_124 = arith.constant 0 : i32
      %dma_start3A_125 = tpu.memref_slice %arg5[%multiple_of3A, %dma_start3A_124] : memref<512x1024xf32, #tpu.memory_space<hbm>> -> memref<16x1024xf32, #tpu.memory_space<hbm>>
      %dma_start3A_126 = arith.constant 0 : i32
      %dma_start3A_127 = tpu.memref_slice %arg5[%multiple_of3A, %dma_start3A_126] : memref<512x1024xf32, #tpu.memory_space<hbm>> -> memref<16x1024xf32, #tpu.memory_space<hbm>>
      tpu.enqueue_dma source(%dma_start3A_127 : memref<16x1024xf32, #tpu.memory_space<hbm>>) target(%arg10 : memref<16x1024xf32, #tpu.memory_space<vmem>>) target_semaphore(%run_scoped3A : memref<!tpu.dma_semaphore, #tpu.memory_space<semaphore_mem>>)
      %dma_wait3A_128 = arith.constant 0 : i32
      %dma_wait3A_129 = tpu.memref_slice %arg5[%multiple_of3A, %dma_wait3A_128] : memref<512x1024xf32, #tpu.memory_space<hbm>> -> memref<16x1024xf32, #tpu.memory_space<hbm>>
      %dma_wait3A_130 = arith.constant 0 : i32
      %dma_wait3A_131 = tpu.memref_slice %arg5[%multiple_of3A, %dma_wait3A_130] : memref<512x1024xf32, #tpu.memory_space<hbm>> -> memref<16x1024xf32, #tpu.memory_space<hbm>>
      tpu.wait_dma2 semaphore(%run_scoped3A : memref<!tpu.dma_semaphore, #tpu.memory_space<semaphore_mem>>) src(%dma_wait3A_131 : memref<16x1024xf32, #tpu.memory_space<hbm>>) dst(%arg10 : memref<16x1024xf32, #tpu.memory_space<vmem>>)
      tpu.yield
    }) : () -> ()
    %scan3A_8 = arith.constant 0 : i32
    %scan3A_9 = arith.constant 0 : i32
    %scan3A_10 = arith.constant 64 : i32
    %scan3A_11 = arith.addi %scan3A_9, %scan3A_10 : i32
    %scan3A_12 = arith.constant 1 : i32
    scf.for %scan3A_124 = %scan3A_9 to %scan3A_11 step %scan3A_12  : i32 {
      %dma_wait3A_125 = arith.constant 0 : i32
      %dma_wait3A_126 = tpu.memref_slice %arg11[%scan3A_124, %dma_wait3A_125] : memref<64x16xi32, #tpu.memory_space<vmem>> -> memref<1x16xi32, #tpu.memory_space<vmem>>
      %dma_wait3A_127 = tpu.memref_squeeze %dma_wait3A_126 : memref<1x16xi32, #tpu.memory_space<vmem>> -> memref<16xi32, #tpu.memory_space<vmem>>
      %dma_wait3A_128 = arith.constant 0 : i32
      %dma_wait3A_129 = tpu.memref_slice %arg2[%dma_wait3A_128] : memref<32768xi32, #tpu.memory_space<hbm>> -> memref<16xi32, #tpu.memory_space<hbm>>
      %dma_wait3A_130 = arith.constant 0 : i32
      %dma_wait3A_131 = tpu.memref_slice %arg11[%scan3A_124, %dma_wait3A_130] : memref<64x16xi32, #tpu.memory_space<vmem>> -> memref<1x16xi32, #tpu.memory_space<vmem>>
      %dma_wait3A_132 = tpu.memref_squeeze %dma_wait3A_131 : memref<1x16xi32, #tpu.memory_space<vmem>> -> memref<16xi32, #tpu.memory_space<vmem>>
      %dma_wait3A_133 = arith.constant 0 : i32
      %dma_wait3A_134 = tpu.memref_slice %arg2[%dma_wait3A_133] : memref<32768xi32, #tpu.memory_space<hbm>> -> memref<16xi32, #tpu.memory_space<hbm>>
      tpu.wait_dma2 semaphore(%arg17 : memref<!tpu.dma_semaphore, #tpu.memory_space<semaphore_mem>>) src(%dma_wait3A_134 : memref<16xi32, #tpu.memory_space<hbm>>) dst(%dma_wait3A_132 : memref<16xi32, #tpu.memory_space<vmem>>)
      %dma_wait3A_135 = arith.constant 0 : i32
      %dma_wait3A_136 = tpu.memref_slice %arg12[%scan3A_124, %dma_wait3A_135] : memref<64x16xi32, #tpu.memory_space<vmem>> -> memref<1x16xi32, #tpu.memory_space<vmem>>
      %dma_wait3A_137 = tpu.memref_squeeze %dma_wait3A_136 : memref<1x16xi32, #tpu.memory_space<vmem>> -> memref<16xi32, #tpu.memory_space<vmem>>
      %dma_wait3A_138 = arith.constant 0 : i32
      %dma_wait3A_139 = tpu.memref_slice %arg3[%dma_wait3A_138] : memref<32768xi32, #tpu.memory_space<hbm>> -> memref<16xi32, #tpu.memory_space<hbm>>
      %dma_wait3A_140 = arith.constant 0 : i32
      %dma_wait3A_141 = tpu.memref_slice %arg12[%scan3A_124, %dma_wait3A_140] : memref<64x16xi32, #tpu.memory_space<vmem>> -> memref<1x16xi32, #tpu.memory_space<vmem>>
      %dma_wait3A_142 = tpu.memref_squeeze %dma_wait3A_141 : memref<1x16xi32, #tpu.memory_space<vmem>> -> memref<16xi32, #tpu.memory_space<vmem>>
      %dma_wait3A_143 = arith.constant 0 : i32
      %dma_wait3A_144 = tpu.memref_slice %arg3[%dma_wait3A_143] : memref<32768xi32, #tpu.memory_space<hbm>> -> memref<16xi32, #tpu.memory_space<hbm>>
      tpu.wait_dma2 semaphore(%arg17 : memref<!tpu.dma_semaphore, #tpu.memory_space<semaphore_mem>>) src(%dma_wait3A_144 : memref<16xi32, #tpu.memory_space<hbm>>) dst(%dma_wait3A_142 : memref<16xi32, #tpu.memory_space<vmem>>)
    }
    %scan3A_13 = arith.constant 64 : i32
    %dma_start3A = arith.constant 0 : i32
    %dma_start3A_14 = arith.constant 0 : i32
    %dma_start3A_15 = arith.constant 0 : i32
    %dma_start3A_16 = arith.constant 0 : i32
    %dma_start3A_17 = arith.constant 0 : i32
    %dma_start3A_18 = tpu.memref_slice %arg13[%dma_start3A_14, %dma_start3A_16, %dma_start3A_17] : memref<2x16x1024xf32, #tpu.memory_space<vmem>> -> memref<1x16x1024xf32, #tpu.memory_space<vmem>>
    %dma_start3A_19 = tpu.memref_squeeze %dma_start3A_18 : memref<1x16x1024xf32, #tpu.memory_space<vmem>> -> memref<16x1024xf32, #tpu.memory_space<vmem>>
    %dma_start3A_20 = arith.constant 0 : i32
    %dma_start3A_21 = tpu.memref_slice %arg11[%dma_start3A, %dma_start3A_20] : memref<64x16xi32, #tpu.memory_space<vmem>> -> memref<1x16xi32, #tpu.memory_space<vmem>>
    %dma_start3A_22 = tpu.memref_squeeze %dma_start3A_21 : memref<1x16xi32, #tpu.memory_space<vmem>> -> memref<16xi32, #tpu.memory_space<vmem>>
    %dma_start3A_23 = arith.constant 0 : i32
    %dma_start3A_24 = arith.constant 0 : i32
    %dma_start3A_25 = tpu.memref_slice %arg4[%dma_start3A_23, %dma_start3A_24] : memref<100000x1024xf32, #tpu.memory_space<hbm>> -> memref<100000x1024xf32, #tpu.memory_space<hbm>>
    %dma_start3A_26 = tpu.memref_slice %arg18[%dma_start3A_15] : memref<2x!tpu.dma_semaphore, #tpu.memory_space<semaphore_mem>> -> memref<1x!tpu.dma_semaphore, #tpu.memory_space<semaphore_mem>>
    %dma_start3A_27 = tpu.memref_squeeze %dma_start3A_26 : memref<1x!tpu.dma_semaphore, #tpu.memory_space<semaphore_mem>> -> memref<!tpu.dma_semaphore, #tpu.memory_space<semaphore_mem>>
    tpu.enqueue_indirect_dma source(%dma_start3A_25 : memref<100000x1024xf32, #tpu.memory_space<hbm>>) target(%dma_start3A_19 : memref<16x1024xf32, #tpu.memory_space<vmem>>) offsets(%dma_start3A_22 : memref<16xi32, #tpu.memory_space<vmem>>) semaphore(%dma_start3A_27 : memref<!tpu.dma_semaphore, #tpu.memory_space<semaphore_mem>>)
    %dma_start3A_28 = arith.constant 0 : i32
    %dma_start3A_29 = arith.constant 0 : i32
    %dma_start3A_30 = arith.constant 0 : i32
    %dma_start3A_31 = arith.constant 0 : i32
    %dma_start3A_32 = arith.constant 0 : i32
    %dma_start3A_33 = tpu.memref_slice %arg14[%dma_start3A_29, %dma_start3A_31, %dma_start3A_32] : memref<2x16x1024xf32, #tpu.memory_space<vmem>> -> memref<1x16x1024xf32, #tpu.memory_space<vmem>>
    %dma_start3A_34 = tpu.memref_squeeze %dma_start3A_33 : memref<1x16x1024xf32, #tpu.memory_space<vmem>> -> memref<16x1024xf32, #tpu.memory_space<vmem>>
    %dma_start3A_35 = arith.constant 0 : i32
    %dma_start3A_36 = tpu.memref_slice %arg12[%dma_start3A_28, %dma_start3A_35] : memref<64x16xi32, #tpu.memory_space<vmem>> -> memref<1x16xi32, #tpu.memory_space<vmem>>
    %dma_start3A_37 = tpu.memref_squeeze %dma_start3A_36 : memref<1x16xi32, #tpu.memory_space<vmem>> -> memref<16xi32, #tpu.memory_space<vmem>>
    %dma_start3A_38 = arith.constant 0 : i32
    %dma_start3A_39 = arith.constant 0 : i32
    %dma_start3A_40 = tpu.memref_slice %arg4[%dma_start3A_38, %dma_start3A_39] : memref<100000x1024xf32, #tpu.memory_space<hbm>> -> memref<100000x1024xf32, #tpu.memory_space<hbm>>
    %dma_start3A_41 = tpu.memref_slice %arg19[%dma_start3A_30] : memref<2x!tpu.dma_semaphore, #tpu.memory_space<semaphore_mem>> -> memref<1x!tpu.dma_semaphore, #tpu.memory_space<semaphore_mem>>
    %dma_start3A_42 = tpu.memref_squeeze %dma_start3A_41 : memref<1x!tpu.dma_semaphore, #tpu.memory_space<semaphore_mem>> -> memref<!tpu.dma_semaphore, #tpu.memory_space<semaphore_mem>>
    tpu.enqueue_indirect_dma source(%dma_start3A_40 : memref<100000x1024xf32, #tpu.memory_space<hbm>>) target(%dma_start3A_34 : memref<16x1024xf32, #tpu.memory_space<vmem>>) offsets(%dma_start3A_37 : memref<16xi32, #tpu.memory_space<vmem>>) semaphore(%dma_start3A_42 : memref<!tpu.dma_semaphore, #tpu.memory_space<semaphore_mem>>)
    %scan3A_43 = arith.constant 0 : i32
    %scan3A_44 = arith.constant 0 : i32
    %scan3A_45 = arith.constant 64 : i32
    %scan3A_46 = arith.addi %scan3A_44, %scan3A_45 : i32
    %scan3A_47 = arith.constant 1 : i32
    scf.for %scan3A_124 = %scan3A_44 to %scan3A_46 step %scan3A_47  : i32 {
      %and3A = arith.constant 1 : i32
      %and3A_125 = arith.andi %scan3A_124, %and3A : i32
      %sub3A = arith.constant 1 : i32
      %sub3A_126 = arith.subi %sub3A, %and3A_125 : i32
      %lt3A = arith.constant 63 : i32
      %lt3A_127 = arith.cmpi slt, %scan3A_124, %lt3A : i32
      %convert_element_type3A = arith.extui %lt3A_127 : i1 to i32
      %cond3A = arith.constant 0 : i32
      %cond3A_128 = arith.cmpi ne, %convert_element_type3A, %cond3A : i32
      scf.if %cond3A_128 {
        %ge3A = arith.constant 1 : i32
        %ge3A_217 = arith.cmpi sge, %scan3A_124, %ge3A : i32
        %convert_element_type3A_218 = arith.extui %ge3A_217 : i1 to i32
        %cond3A_219 = arith.constant 0 : i32
        %cond3A_220 = arith.cmpi ne, %convert_element_type3A_218, %cond3A_219 : i32
        scf.if %cond3A_220 {
          %dma_wait3A_247 = arith.constant 0 : i32
          %dma_wait3A_248 = arith.constant 0 : i32
          %dma_wait3A_249 = arith.constant 0 : i32
          %dma_wait3A_250 = tpu.memref_slice %arg13[%sub3A_126, %dma_wait3A_248, %dma_wait3A_249] : memref<2x16x1024xf32, #tpu.memory_space<vmem>> -> memref<1x16x1024xf32, #tpu.memory_space<vmem>>
          %dma_wait3A_251 = tpu.memref_squeeze %dma_wait3A_250 : memref<1x16x1024xf32, #tpu.memory_space<vmem>> -> memref<16x1024xf32, #tpu.memory_space<vmem>>
          %dma_wait3A_252 = arith.constant 0 : i32
          %dma_wait3A_253 = tpu.memref_slice %arg6[%dma_wait3A_247, %multiple_of3A, %dma_wait3A_252] : memref<64x512x1024xf32, #tpu.memory_space<hbm>> -> memref<1x16x1024xf32, #tpu.memory_space<hbm>>
          %dma_wait3A_254 = tpu.memref_squeeze %dma_wait3A_253 : memref<1x16x1024xf32, #tpu.memory_space<hbm>> -> memref<16x1024xf32, #tpu.memory_space<hbm>>
          %dma_wait3A_255 = tpu.memref_slice %arg20[%sub3A_126] : memref<2x!tpu.dma_semaphore, #tpu.memory_space<semaphore_mem>> -> memref<1x!tpu.dma_semaphore, #tpu.memory_space<semaphore_mem>>
          %dma_wait3A_256 = tpu.memref_squeeze %dma_wait3A_255 : memref<1x!tpu.dma_semaphore, #tpu.memory_space<semaphore_mem>> -> memref<!tpu.dma_semaphore, #tpu.memory_space<semaphore_mem>>
          %dma_wait3A_257 = arith.constant 0 : i32
          %dma_wait3A_258 = tpu.memref_slice %arg6[%dma_wait3A_247, %multiple_of3A, %dma_wait3A_257] : memref<64x512x1024xf32, #tpu.memory_space<hbm>> -> memref<1x16x1024xf32, #tpu.memory_space<hbm>>
          %dma_wait3A_259 = tpu.memref_squeeze %dma_wait3A_258 : memref<1x16x1024xf32, #tpu.memory_space<hbm>> -> memref<16x1024xf32, #tpu.memory_space<hbm>>
          %dma_wait3A_260 = arith.constant 0 : i32
          %dma_wait3A_261 = arith.constant 0 : i32
          %dma_wait3A_262 = tpu.memref_slice %arg13[%sub3A_126, %dma_wait3A_260, %dma_wait3A_261] : memref<2x16x1024xf32, #tpu.memory_space<vmem>> -> memref<1x16x1024xf32, #tpu.memory_space<vmem>>
          %dma_wait3A_263 = tpu.memref_squeeze %dma_wait3A_262 : memref<1x16x1024xf32, #tpu.memory_space<vmem>> -> memref<16x1024xf32, #tpu.memory_space<vmem>>
          tpu.wait_dma2 semaphore(%dma_wait3A_256 : memref<!tpu.dma_semaphore, #tpu.memory_space<semaphore_mem>>) src(%dma_wait3A_263 : memref<16x1024xf32, #tpu.memory_space<vmem>>) dst(%dma_wait3A_259 : memref<16x1024xf32, #tpu.memory_space<hbm>>)
          %dma_wait3A_264 = arith.constant 0 : i32
          %dma_wait3A_265 = arith.constant 0 : i32
          %dma_wait3A_266 = arith.constant 0 : i32
          %dma_wait3A_267 = tpu.memref_slice %arg14[%sub3A_126, %dma_wait3A_265, %dma_wait3A_266] : memref<2x16x1024xf32, #tpu.memory_space<vmem>> -> memref<1x16x1024xf32, #tpu.memory_space<vmem>>
          %dma_wait3A_268 = tpu.memref_squeeze %dma_wait3A_267 : memref<1x16x1024xf32, #tpu.memory_space<vmem>> -> memref<16x1024xf32, #tpu.memory_space<vmem>>
          %dma_wait3A_269 = arith.constant 0 : i32
          %dma_wait3A_270 = tpu.memref_slice %arg8[%dma_wait3A_264, %multiple_of3A, %dma_wait3A_269] : memref<64x512x1024xf32, #tpu.memory_space<hbm>> -> memref<1x16x1024xf32, #tpu.memory_space<hbm>>
          %dma_wait3A_271 = tpu.memref_squeeze %dma_wait3A_270 : memref<1x16x1024xf32, #tpu.memory_space<hbm>> -> memref<16x1024xf32, #tpu.memory_space<hbm>>
          %dma_wait3A_272 = tpu.memref_slice %arg21[%sub3A_126] : memref<2x!tpu.dma_semaphore, #tpu.memory_space<semaphore_mem>> -> memref<1x!tpu.dma_semaphore, #tpu.memory_space<semaphore_mem>>
          %dma_wait3A_273 = tpu.memref_squeeze %dma_wait3A_272 : memref<1x!tpu.dma_semaphore, #tpu.memory_space<semaphore_mem>> -> memref<!tpu.dma_semaphore, #tpu.memory_space<semaphore_mem>>
          %dma_wait3A_274 = arith.constant 0 : i32
          %dma_wait3A_275 = tpu.memref_slice %arg8[%dma_wait3A_264, %multiple_of3A, %dma_wait3A_274] : memref<64x512x1024xf32, #tpu.memory_space<hbm>> -> memref<1x16x1024xf32, #tpu.memory_space<hbm>>
          %dma_wait3A_276 = tpu.memref_squeeze %dma_wait3A_275 : memref<1x16x1024xf32, #tpu.memory_space<hbm>> -> memref<16x1024xf32, #tpu.memory_space<hbm>>
          %dma_wait3A_277 = arith.constant 0 : i32
          %dma_wait3A_278 = arith.constant 0 : i32
          %dma_wait3A_279 = tpu.memref_slice %arg14[%sub3A_126, %dma_wait3A_277, %dma_wait3A_278] : memref<2x16x1024xf32, #tpu.memory_space<vmem>> -> memref<1x16x1024xf32, #tpu.memory_space<vmem>>
          %dma_wait3A_280 = tpu.memref_squeeze %dma_wait3A_279 : memref<1x16x1024xf32, #tpu.memory_space<vmem>> -> memref<16x1024xf32, #tpu.memory_space<vmem>>
          tpu.wait_dma2 semaphore(%dma_wait3A_273 : memref<!tpu.dma_semaphore, #tpu.memory_space<semaphore_mem>>) src(%dma_wait3A_280 : memref<16x1024xf32, #tpu.memory_space<vmem>>) dst(%dma_wait3A_276 : memref<16x1024xf32, #tpu.memory_space<hbm>>)
        } else {
        }
        %add3A_221 = arith.constant 1 : i32
        %add3A_222 = arith.addi %scan3A_124, %add3A_221 : i32
        %dma_start3A_223 = arith.constant 0 : i32
        %dma_start3A_224 = arith.constant 0 : i32
        %dma_start3A_225 = tpu.memref_slice %arg13[%sub3A_126, %dma_start3A_223, %dma_start3A_224] : memref<2x16x1024xf32, #tpu.memory_space<vmem>> -> memref<1x16x1024xf32, #tpu.memory_space<vmem>>
        %dma_start3A_226 = tpu.memref_squeeze %dma_start3A_225 : memref<1x16x1024xf32, #tpu.memory_space<vmem>> -> memref<16x1024xf32, #tpu.memory_space<vmem>>
        %dma_start3A_227 = arith.constant 0 : i32
        %dma_start3A_228 = tpu.memref_slice %arg11[%add3A_222, %dma_start3A_227] : memref<64x16xi32, #tpu.memory_space<vmem>> -> memref<1x16xi32, #tpu.memory_space<vmem>>
        %dma_start3A_229 = tpu.memref_squeeze %dma_start3A_228 : memref<1x16xi32, #tpu.memory_space<vmem>> -> memref<16xi32, #tpu.memory_space<vmem>>
        %dma_start3A_230 = arith.constant 0 : i32
        %dma_start3A_231 = arith.constant 0 : i32
        %dma_start3A_232 = tpu.memref_slice %arg4[%dma_start3A_230, %dma_start3A_231] : memref<100000x1024xf32, #tpu.memory_space<hbm>> -> memref<100000x1024xf32, #tpu.memory_space<hbm>>
        %dma_start3A_233 = tpu.memref_slice %arg18[%sub3A_126] : memref<2x!tpu.dma_semaphore, #tpu.memory_space<semaphore_mem>> -> memref<1x!tpu.dma_semaphore, #tpu.memory_space<semaphore_mem>>
        %dma_start3A_234 = tpu.memref_squeeze %dma_start3A_233 : memref<1x!tpu.dma_semaphore, #tpu.memory_space<semaphore_mem>> -> memref<!tpu.dma_semaphore, #tpu.memory_space<semaphore_mem>>
        tpu.enqueue_indirect_dma source(%dma_start3A_232 : memref<100000x1024xf32, #tpu.memory_space<hbm>>) target(%dma_start3A_226 : memref<16x1024xf32, #tpu.memory_space<vmem>>) offsets(%dma_start3A_229 : memref<16xi32, #tpu.memory_space<vmem>>) semaphore(%dma_start3A_234 : memref<!tpu.dma_semaphore, #tpu.memory_space<semaphore_mem>>)
        %dma_start3A_235 = arith.constant 0 : i32
        %dma_start3A_236 = arith.constant 0 : i32
        %dma_start3A_237 = tpu.memref_slice %arg14[%sub3A_126, %dma_start3A_235, %dma_start3A_236] : memref<2x16x1024xf32, #tpu.memory_space<vmem>> -> memref<1x16x1024xf32, #tpu.memory_space<vmem>>
        %dma_start3A_238 = tpu.memref_squeeze %dma_start3A_237 : memref<1x16x1024xf32, #tpu.memory_space<vmem>> -> memref<16x1024xf32, #tpu.memory_space<vmem>>
        %dma_start3A_239 = arith.constant 0 : i32
        %dma_start3A_240 = tpu.memref_slice %arg12[%add3A_222, %dma_start3A_239] : memref<64x16xi32, #tpu.memory_space<vmem>> -> memref<1x16xi32, #tpu.memory_space<vmem>>
        %dma_start3A_241 = tpu.memref_squeeze %dma_start3A_240 : memref<1x16xi32, #tpu.memory_space<vmem>> -> memref<16xi32, #tpu.memory_space<vmem>>
        %dma_start3A_242 = arith.constant 0 : i32
        %dma_start3A_243 = arith.constant 0 : i32
        %dma_start3A_244 = tpu.memref_slice %arg4[%dma_start3A_242, %dma_start3A_243] : memref<100000x1024xf32, #tpu.memory_space<hbm>> -> memref<100000x1024xf32, #tpu.memory_space<hbm>>
        %dma_start3A_245 = tpu.memref_slice %arg19[%sub3A_126] : memref<2x!tpu.dma_semaphore, #tpu.memory_space<semaphore_mem>> -> memref<1x!tpu.dma_semaphore, #tpu.memory_space<semaphore_mem>>
        %dma_start3A_246 = tpu.memref_squeeze %dma_start3A_245 : memref<1x!tpu.dma_semaphore, #tpu.memory_space<semaphore_mem>> -> memref<!tpu.dma_semaphore, #tpu.memory_space<semaphore_mem>>
        tpu.enqueue_indirect_dma source(%dma_start3A_244 : memref<100000x1024xf32, #tpu.memory_space<hbm>>) target(%dma_start3A_238 : memref<16x1024xf32, #tpu.memory_space<vmem>>) offsets(%dma_start3A_241 : memref<16xi32, #tpu.memory_space<vmem>>) semaphore(%dma_start3A_246 : memref<!tpu.dma_semaphore, #tpu.memory_space<semaphore_mem>>)
      } else {
      }
      %dma_wait3A_129 = arith.constant 0 : i32
      %dma_wait3A_130 = arith.constant 0 : i32
      %dma_wait3A_131 = arith.constant 0 : i32
      %dma_wait3A_132 = tpu.memref_slice %arg13[%and3A_125, %dma_wait3A_130, %dma_wait3A_131] : memref<2x16x1024xf32, #tpu.memory_space<vmem>> -> memref<1x16x1024xf32, #tpu.memory_space<vmem>>
      %dma_wait3A_133 = tpu.memref_squeeze %dma_wait3A_132 : memref<1x16x1024xf32, #tpu.memory_space<vmem>> -> memref<16x1024xf32, #tpu.memory_space<vmem>>
      %dma_wait3A_134 = arith.constant 0 : i32
      %dma_wait3A_135 = tpu.memref_slice %arg11[%dma_wait3A_129, %dma_wait3A_134] : memref<64x16xi32, #tpu.memory_space<vmem>> -> memref<1x16xi32, #tpu.memory_space<vmem>>
      %dma_wait3A_136 = tpu.memref_squeeze %dma_wait3A_135 : memref<1x16xi32, #tpu.memory_space<vmem>> -> memref<16xi32, #tpu.memory_space<vmem>>
      %dma_wait3A_137 = arith.constant 0 : i32
      %dma_wait3A_138 = arith.constant 0 : i32
      %dma_wait3A_139 = tpu.memref_slice %arg4[%dma_wait3A_137, %dma_wait3A_138] : memref<100000x1024xf32, #tpu.memory_space<hbm>> -> memref<100000x1024xf32, #tpu.memory_space<hbm>>
      %dma_wait3A_140 = tpu.memref_slice %arg18[%and3A_125] : memref<2x!tpu.dma_semaphore, #tpu.memory_space<semaphore_mem>> -> memref<1x!tpu.dma_semaphore, #tpu.memory_space<semaphore_mem>>
      %dma_wait3A_141 = tpu.memref_squeeze %dma_wait3A_140 : memref<1x!tpu.dma_semaphore, #tpu.memory_space<semaphore_mem>> -> memref<!tpu.dma_semaphore, #tpu.memory_space<semaphore_mem>>
      tpu.wait_indirect_dma semaphore(%dma_wait3A_141 : memref<!tpu.dma_semaphore, #tpu.memory_space<semaphore_mem>>) src(%dma_wait3A_139 : memref<100000x1024xf32, #tpu.memory_space<hbm>>) dst(%dma_wait3A_133 : memref<16x1024xf32, #tpu.memory_space<vmem>>)
      %dma_wait3A_142 = arith.constant 0 : i32
      %dma_wait3A_143 = arith.constant 0 : i32
      %dma_wait3A_144 = arith.constant 0 : i32
      %dma_wait3A_145 = tpu.memref_slice %arg14[%and3A_125, %dma_wait3A_143, %dma_wait3A_144] : memref<2x16x1024xf32, #tpu.memory_space<vmem>> -> memref<1x16x1024xf32, #tpu.memory_space<vmem>>
      %dma_wait3A_146 = tpu.memref_squeeze %dma_wait3A_145 : memref<1x16x1024xf32, #tpu.memory_space<vmem>> -> memref<16x1024xf32, #tpu.memory_space<vmem>>
      %dma_wait3A_147 = arith.constant 0 : i32
      %dma_wait3A_148 = tpu.memref_slice %arg12[%dma_wait3A_142, %dma_wait3A_147] : memref<64x16xi32, #tpu.memory_space<vmem>> -> memref<1x16xi32, #tpu.memory_space<vmem>>
      %dma_wait3A_149 = tpu.memref_squeeze %dma_wait3A_148 : memref<1x16xi32, #tpu.memory_space<vmem>> -> memref<16xi32, #tpu.memory_space<vmem>>
      %dma_wait3A_150 = arith.constant 0 : i32
      %dma_wait3A_151 = arith.constant 0 : i32
      %dma_wait3A_152 = tpu.memref_slice %arg4[%dma_wait3A_150, %dma_wait3A_151] : memref<100000x1024xf32, #tpu.memory_space<hbm>> -> memref<100000x1024xf32, #tpu.memory_space<hbm>>
      %dma_wait3A_153 = tpu.memref_slice %arg19[%and3A_125] : memref<2x!tpu.dma_semaphore, #tpu.memory_space<semaphore_mem>> -> memref<1x!tpu.dma_semaphore, #tpu.memory_space<semaphore_mem>>
      %dma_wait3A_154 = tpu.memref_squeeze %dma_wait3A_153 : memref<1x!tpu.dma_semaphore, #tpu.memory_space<semaphore_mem>> -> memref<!tpu.dma_semaphore, #tpu.memory_space<semaphore_mem>>
      tpu.wait_indirect_dma semaphore(%dma_wait3A_154 : memref<!tpu.dma_semaphore, #tpu.memory_space<semaphore_mem>>) src(%dma_wait3A_152 : memref<100000x1024xf32, #tpu.memory_space<hbm>>) dst(%dma_wait3A_146 : memref<16x1024xf32, #tpu.memory_space<vmem>>)
      %get3A = arith.index_cast %scan3A_124 : i32 to index
      %get3A_155 = arith.constant 0 : index
      %get3A_156 = tpu.vector_load %arg11[%get3A, %get3A_155] {strides = array<i32>} : memref<64x16xi32, #tpu.memory_space<vmem>>, vector<1x16xi32>,
      %get3A_157 = vector.shape_cast %get3A_156 : vector<1x16xi32> to vector<16xi32>
      %get3A_158 = arith.index_cast %scan3A_124 : i32 to index
      %get3A_159 = arith.constant 0 : index
      %get3A_160 = tpu.vector_load %arg12[%get3A_158, %get3A_159] {strides = array<i32>} : memref<64x16xi32, #tpu.memory_space<vmem>>, vector<1x16xi32>,
      %get3A_161 = vector.shape_cast %get3A_160 : vector<1x16xi32> to vector<16xi32>
      %eq3A = arith.constant 1 : i32
      %eq3A_162 = vector.broadcast %eq3A : i32 to vector<16xi32>
      %eq3A_163 = arith.cmpi eq, %get3A_157, %eq3A_162 : vector<16xi32>
      %jit3A = arith.constant 0xFF800000 : f32
      %jit3A_164 = arith.constant 0.000000e+00 : f32
      %broadcast_in_dim3A = vector.broadcast %jit3A : f32 to vector<16xf32>
      %broadcast_in_dim3A_165 = vector.broadcast %jit3A_164 : f32 to vector<16xf32>
      %select_n3A = arith.select %eq3A_163, %broadcast_in_dim3A, %broadcast_in_dim3A_165 : vector<16xi1>, vector<16xf32>
      %swap3A = arith.index_cast %scan3A_124 : i32 to index
      %swap3A_166 = arith.constant 0 : index
      %swap3A_167 = tpu.vector_load %arg15[%swap3A, %swap3A_166] {strides = array<i32>} : memref<64x16xf32, #tpu.memory_space<vmem>>, vector<1x16xf32>,
      %swap3A_168 = vector.shape_cast %swap3A_167 : vector<1x16xf32> to vector<16xf32>
      %swap3A_169 = vector.shape_cast %select_n3A : vector<16xf32> to vector<1x16xf32>
      tpu.vector_store %arg15[%swap3A, %swap3A_166], %swap3A_169 {strides = array<i32>} : memref<64x16xf32, #tpu.memory_space<vmem>>, vector<1x16xf32>,
      %eq3A_170 = arith.constant 1 : i32
      %eq3A_171 = vector.broadcast %eq3A_170 : i32 to vector<16xi32>
      %eq3A_172 = arith.cmpi eq, %get3A_161, %eq3A_171 : vector<16xi32>
      %jit3A_173 = arith.constant 0xFF800000 : f32
      %jit3A_174 = arith.constant 0.000000e+00 : f32
      %broadcast_in_dim3A_175 = vector.broadcast %jit3A_173 : f32 to vector<16xf32>
      %broadcast_in_dim3A_176 = vector.broadcast %jit3A_174 : f32 to vector<16xf32>
      %select_n3A_177 = arith.select %eq3A_172, %broadcast_in_dim3A_175, %broadcast_in_dim3A_176 : vector<16xi1>, vector<16xf32>
      %swap3A_178 = arith.index_cast %scan3A_124 : i32 to index
      %swap3A_179 = arith.constant 0 : index
      %swap3A_180 = tpu.vector_load %arg16[%swap3A_178, %swap3A_179] {strides = array<i32>} : memref<64x16xf32, #tpu.memory_space<vmem>>, vector<1x16xf32>,
      %swap3A_181 = vector.shape_cast %swap3A_180 : vector<1x16xf32> to vector<16xf32>
      %swap3A_182 = vector.shape_cast %select_n3A_177 : vector<16xf32> to vector<1x16xf32>
      tpu.vector_store %arg16[%swap3A_178, %swap3A_179], %swap3A_182 {strides = array<i32>} : memref<64x16xf32, #tpu.memory_space<vmem>>, vector<1x16xf32>,
      %parallel_loop3A = arith.constant 0 : i32
      %parallel_loop3A_183 = arith.constant 1024 : i32
      %parallel_loop3A_184 = arith.constant 1 : i32
      scf.for %parallel_loop3A_217 = %parallel_loop3A to %parallel_loop3A_183 step %parallel_loop3A_184  : i32 {
        %parallel_loop3A_218 = arith.constant 6 : i32
        %parallel_loop3A_219 = arith.shrsi %parallel_loop3A_217, %parallel_loop3A_218 : i32
        %parallel_loop3A_220 = arith.constant 63 : i32
        %parallel_loop3A_221 = arith.andi %parallel_loop3A_217, %parallel_loop3A_220 : i32
        %parallel_loop3A_222 = arith.constant 16 : i32
        %parallel_loop3A_223 = arith.muli %parallel_loop3A_221, %parallel_loop3A_222 : i32
        %parallel_loop3A_224 = arith.index_cast %parallel_loop3A_219 : i32 to index
        %parallel_loop3A_225 = arith.index_cast %parallel_loop3A_223 : i32 to index
        %parallel_loop3A_226 = tpu.vector_load %arg10[%parallel_loop3A_224, %parallel_loop3A_225] {strides = array<i32>} : memref<16x1024xf32, #tpu.memory_space<vmem>>, vector<1x16xf32>,
        %parallel_loop3A_227 = vector.shape_cast %parallel_loop3A_226 : vector<1x16xf32> to vector<16xf32>
        %parallel_loop3A_228 = arith.index_cast %and3A_125 : i32 to index
        %parallel_loop3A_229 = arith.index_cast %parallel_loop3A_219 : i32 to index
        %parallel_loop3A_230 = arith.index_cast %parallel_loop3A_223 : i32 to index
        %parallel_loop3A_231 = tpu.vector_load %arg13[%parallel_loop3A_228, %parallel_loop3A_229, %parallel_loop3A_230] {strides = array<i32>} : memref<2x16x1024xf32, #tpu.memory_space<vmem>>, vector<1x1x16xf32>,
        %parallel_loop3A_232 = vector.shape_cast %parallel_loop3A_231 : vector<1x1x16xf32> to vector<16xf32>
        %parallel_loop3A_233 = arith.constant 3.200000e+01 : f32
        %parallel_loop3A_234 = vector.broadcast %parallel_loop3A_233 : f32 to vector<16xf32>
        %parallel_loop3A_235 = arith.mulf %parallel_loop3A_232, %parallel_loop3A_234 : vector<16xf32>
        %parallel_loop3A_236 = arith.addf %parallel_loop3A_235, %parallel_loop3A_227 : vector<16xf32>
        %parallel_loop3A_237 = arith.index_cast %and3A_125 : i32 to index
        %parallel_loop3A_238 = arith.index_cast %parallel_loop3A_219 : i32 to index
        %parallel_loop3A_239 = arith.index_cast %parallel_loop3A_223 : i32 to index
        %parallel_loop3A_240 = tpu.vector_load %arg13[%parallel_loop3A_237, %parallel_loop3A_238, %parallel_loop3A_239] {strides = array<i32>} : memref<2x16x1024xf32, #tpu.memory_space<vmem>>, vector<1x1x16xf32>,
        %parallel_loop3A_241 = vector.shape_cast %parallel_loop3A_240 : vector<1x1x16xf32> to vector<16xf32>
        %parallel_loop3A_242 = vector.shape_cast %parallel_loop3A_236 : vector<16xf32> to vector<1x1x16xf32>
        tpu.vector_store %arg13[%parallel_loop3A_237, %parallel_loop3A_238, %parallel_loop3A_239], %parallel_loop3A_242 {strides = array<i32>} : memref<2x16x1024xf32, #tpu.memory_space<vmem>>, vector<1x1x16xf32>,
        %parallel_loop3A_243 = arith.index_cast %and3A_125 : i32 to index
        %parallel_loop3A_244 = arith.index_cast %parallel_loop3A_219 : i32 to index
        %parallel_loop3A_245 = arith.index_cast %parallel_loop3A_223 : i32 to index
        %parallel_loop3A_246 = tpu.vector_load %arg14[%parallel_loop3A_243, %parallel_loop3A_244, %parallel_loop3A_245] {strides = array<i32>} : memref<2x16x1024xf32, #tpu.memory_space<vmem>>, vector<1x1x16xf32>,
        %parallel_loop3A_247 = vector.shape_cast %parallel_loop3A_246 : vector<1x1x16xf32> to vector<16xf32>
        %parallel_loop3A_248 = arith.constant 3.200000e+01 : f32
        %parallel_loop3A_249 = vector.broadcast %parallel_loop3A_248 : f32 to vector<16xf32>
        %parallel_loop3A_250 = arith.mulf %parallel_loop3A_247, %parallel_loop3A_249 : vector<16xf32>
        %parallel_loop3A_251 = arith.addf %parallel_loop3A_250, %parallel_loop3A_227 : vector<16xf32>
        %parallel_loop3A_252 = arith.index_cast %and3A_125 : i32 to index
        %parallel_loop3A_253 = arith.index_cast %parallel_loop3A_219 : i32 to index
        %parallel_loop3A_254 = arith.index_cast %parallel_loop3A_223 : i32 to index
        %parallel_loop3A_255 = tpu.vector_load %arg14[%parallel_loop3A_252, %parallel_loop3A_253, %parallel_loop3A_254] {strides = array<i32>} : memref<2x16x1024xf32, #tpu.memory_space<vmem>>, vector<1x1x16xf32>,
        %parallel_loop3A_256 = vector.shape_cast %parallel_loop3A_255 : vector<1x1x16xf32> to vector<16xf32>
        %parallel_loop3A_257 = vector.shape_cast %parallel_loop3A_251 : vector<16xf32> to vector<1x1x16xf32>
        tpu.vector_store %arg14[%parallel_loop3A_252, %parallel_loop3A_253, %parallel_loop3A_254], %parallel_loop3A_257 {strides = array<i32>} : memref<2x16x1024xf32, #tpu.memory_space<vmem>>, vector<1x1x16xf32>,
      } {sc.loop_unroll_factor = 8 : i64, sc.parallel_access}
      %dma_start3A_185 = arith.constant 0 : i32
      %dma_start3A_186 = arith.constant 0 : i32
      %dma_start3A_187 = tpu.memref_slice %arg13[%and3A_125, %dma_start3A_185, %dma_start3A_186] : memref<2x16x1024xf32, #tpu.memory_space<vmem>> -> memref<1x16x1024xf32, #tpu.memory_space<vmem>>
      %dma_start3A_188 = tpu.memref_squeeze %dma_start3A_187 : memref<1x16x1024xf32, #tpu.memory_space<vmem>> -> memref<16x1024xf32, #tpu.memory_space<vmem>>
      %dma_start3A_189 = arith.constant 0 : i32
      %dma_start3A_190 = tpu.memref_slice %arg6[%scan3A_124, %multiple_of3A, %dma_start3A_189] : memref<64x512x1024xf32, #tpu.memory_space<hbm>> -> memref<1x16x1024xf32, #tpu.memory_space<hbm>>
      %dma_start3A_191 = tpu.memref_squeeze %dma_start3A_190 : memref<1x16x1024xf32, #tpu.memory_space<hbm>> -> memref<16x1024xf32, #tpu.memory_space<hbm>>
      %dma_start3A_192 = tpu.memref_slice %arg20[%and3A_125] : memref<2x!tpu.dma_semaphore, #tpu.memory_space<semaphore_mem>> -> memref<1x!tpu.dma_semaphore, #tpu.memory_space<semaphore_mem>>
      %dma_start3A_193 = tpu.memref_squeeze %dma_start3A_192 : memref<1x!tpu.dma_semaphore, #tpu.memory_space<semaphore_mem>> -> memref<!tpu.dma_semaphore, #tpu.memory_space<semaphore_mem>>
      %dma_start3A_194 = arith.constant 0 : i32
      %dma_start3A_195 = tpu.memref_slice %arg6[%scan3A_124, %multiple_of3A, %dma_start3A_194] : memref<64x512x1024xf32, #tpu.memory_space<hbm>> -> memref<1x16x1024xf32, #tpu.memory_space<hbm>>
      %dma_start3A_196 = tpu.memref_squeeze %dma_start3A_195 : memref<1x16x1024xf32, #tpu.memory_space<hbm>> -> memref<16x1024xf32, #tpu.memory_space<hbm>>
      %dma_start3A_197 = arith.constant 0 : i32
      %dma_start3A_198 = arith.constant 0 : i32
      %dma_start3A_199 = tpu.memref_slice %arg13[%and3A_125, %dma_start3A_197, %dma_start3A_198] : memref<2x16x1024xf32, #tpu.memory_space<vmem>> -> memref<1x16x1024xf32, #tpu.memory_space<vmem>>
      %dma_start3A_200 = tpu.memref_squeeze %dma_start3A_199 : memref<1x16x1024xf32, #tpu.memory_space<vmem>> -> memref<16x1024xf32, #tpu.memory_space<vmem>>
      tpu.enqueue_dma source(%dma_start3A_200 : memref<16x1024xf32, #tpu.memory_space<vmem>>) target(%dma_start3A_196 : memref<16x1024xf32, #tpu.memory_space<hbm>>) target_semaphore(%dma_start3A_193 : memref<!tpu.dma_semaphore, #tpu.memory_space<semaphore_mem>>)
      %dma_start3A_201 = arith.constant 0 : i32
      %dma_start3A_202 = arith.constant 0 : i32
      %dma_start3A_203 = tpu.memref_slice %arg14[%and3A_125, %dma_start3A_201, %dma_start3A_202] : memref<2x16x1024xf32, #tpu.memory_space<vmem>> -> memref<1x16x1024xf32, #tpu.memory_space<vmem>>
      %dma_start3A_204 = tpu.memref_squeeze %dma_start3A_203 : memref<1x16x1024xf32, #tpu.memory_space<vmem>> -> memref<16x1024xf32, #tpu.memory_space<vmem>>
      %dma_start3A_205 = arith.constant 0 : i32
      %dma_start3A_206 = tpu.memref_slice %arg8[%scan3A_124, %multiple_of3A, %dma_start3A_205] : memref<64x512x1024xf32, #tpu.memory_space<hbm>> -> memref<1x16x1024xf32, #tpu.memory_space<hbm>>
      %dma_start3A_207 = tpu.memref_squeeze %dma_start3A_206 : memref<1x16x1024xf32, #tpu.memory_space<hbm>> -> memref<16x1024xf32, #tpu.memory_space<hbm>>
      %dma_start3A_208 = tpu.memref_slice %arg21[%and3A_125] : memref<2x!tpu.dma_semaphore, #tpu.memory_space<semaphore_mem>> -> memref<1x!tpu.dma_semaphore, #tpu.memory_space<semaphore_mem>>
      %dma_start3A_209 = tpu.memref_squeeze %dma_start3A_208 : memref<1x!tpu.dma_semaphore, #tpu.memory_space<semaphore_mem>> -> memref<!tpu.dma_semaphore, #tpu.memory_space<semaphore_mem>>
      %dma_start3A_210 = arith.constant 0 : i32
      %dma_start3A_211 = tpu.memref_slice %arg8[%scan3A_124, %multiple_of3A, %dma_start3A_210] : memref<64x512x1024xf32, #tpu.memory_space<hbm>> -> memref<1x16x1024xf32, #tpu.memory_space<hbm>>
      %dma_start3A_212 = tpu.memref_squeeze %dma_start3A_211 : memref<1x16x1024xf32, #tpu.memory_space<hbm>> -> memref<16x1024xf32, #tpu.memory_space<hbm>>
      %dma_start3A_213 = arith.constant 0 : i32
      %dma_start3A_214 = arith.constant 0 : i32
      %dma_start3A_215 = tpu.memref_slice %arg14[%and3A_125, %dma_start3A_213, %dma_start3A_214] : memref<2x16x1024xf32, #tpu.memory_space<vmem>> -> memref<1x16x1024xf32, #tpu.memory_space<vmem>>
      %dma_start3A_216 = tpu.memref_squeeze %dma_start3A_215 : memref<1x16x1024xf32, #tpu.memory_space<vmem>> -> memref<16x1024xf32, #tpu.memory_space<vmem>>
      tpu.enqueue_dma source(%dma_start3A_216 : memref<16x1024xf32, #tpu.memory_space<vmem>>) target(%dma_start3A_212 : memref<16x1024xf32, #tpu.memory_space<hbm>>) target_semaphore(%dma_start3A_209 : memref<!tpu.dma_semaphore, #tpu.memory_space<semaphore_mem>>)
    }
    %scan3A_48 = arith.constant 64 : i32
    %dma_wait3A = arith.constant 0 : i32
    %dma_wait3A_49 = arith.constant 0 : i32
    %dma_wait3A_50 = arith.constant 0 : i32
    %dma_wait3A_51 = arith.constant 0 : i32
    %dma_wait3A_52 = arith.constant 0 : i32
    %dma_wait3A_53 = tpu.memref_slice %arg13[%dma_wait3A, %dma_wait3A_51, %dma_wait3A_52] : memref<2x16x1024xf32, #tpu.memory_space<vmem>> -> memref<1x16x1024xf32, #tpu.memory_space<vmem>>
    %dma_wait3A_54 = tpu.memref_squeeze %dma_wait3A_53 : memref<1x16x1024xf32, #tpu.memory_space<vmem>> -> memref<16x1024xf32, #tpu.memory_space<vmem>>
    %dma_wait3A_55 = arith.constant 0 : i32
    %dma_wait3A_56 = tpu.memref_slice %arg6[%dma_wait3A_49, %multiple_of3A, %dma_wait3A_55] : memref<64x512x1024xf32, #tpu.memory_space<hbm>> -> memref<1x16x1024xf32, #tpu.memory_space<hbm>>
    %dma_wait3A_57 = tpu.memref_squeeze %dma_wait3A_56 : memref<1x16x1024xf32, #tpu.memory_space<hbm>> -> memref<16x1024xf32, #tpu.memory_space<hbm>>
    %dma_wait3A_58 = tpu.memref_slice %arg20[%dma_wait3A_50] : memref<2x!tpu.dma_semaphore, #tpu.memory_space<semaphore_mem>> -> memref<1x!tpu.dma_semaphore, #tpu.memory_space<semaphore_mem>>
    %dma_wait3A_59 = tpu.memref_squeeze %dma_wait3A_58 : memref<1x!tpu.dma_semaphore, #tpu.memory_space<semaphore_mem>> -> memref<!tpu.dma_semaphore, #tpu.memory_space<semaphore_mem>>
    %dma_wait3A_60 = arith.constant 0 : i32
    %dma_wait3A_61 = tpu.memref_slice %arg6[%dma_wait3A_49, %multiple_of3A, %dma_wait3A_60] : memref<64x512x1024xf32, #tpu.memory_space<hbm>> -> memref<1x16x1024xf32, #tpu.memory_space<hbm>>
    %dma_wait3A_62 = tpu.memref_squeeze %dma_wait3A_61 : memref<1x16x1024xf32, #tpu.memory_space<hbm>> -> memref<16x1024xf32, #tpu.memory_space<hbm>>
    %dma_wait3A_63 = arith.constant 0 : i32
    %dma_wait3A_64 = arith.constant 0 : i32
    %dma_wait3A_65 = tpu.memref_slice %arg13[%dma_wait3A, %dma_wait3A_63, %dma_wait3A_64] : memref<2x16x1024xf32, #tpu.memory_space<vmem>> -> memref<1x16x1024xf32, #tpu.memory_space<vmem>>
    %dma_wait3A_66 = tpu.memref_squeeze %dma_wait3A_65 : memref<1x16x1024xf32, #tpu.memory_space<vmem>> -> memref<16x1024xf32, #tpu.memory_space<vmem>>
    tpu.wait_dma2 semaphore(%dma_wait3A_59 : memref<!tpu.dma_semaphore, #tpu.memory_space<semaphore_mem>>) src(%dma_wait3A_66 : memref<16x1024xf32, #tpu.memory_space<vmem>>) dst(%dma_wait3A_62 : memref<16x1024xf32, #tpu.memory_space<hbm>>)
    %dma_wait3A_67 = arith.constant 0 : i32
    %dma_wait3A_68 = arith.constant 0 : i32
    %dma_wait3A_69 = arith.constant 0 : i32
    %dma_wait3A_70 = arith.constant 0 : i32
    %dma_wait3A_71 = arith.constant 0 : i32
    %dma_wait3A_72 = tpu.memref_slice %arg14[%dma_wait3A_67, %dma_wait3A_70, %dma_wait3A_71] : memref<2x16x1024xf32, #tpu.memory_space<vmem>> -> memref<1x16x1024xf32, #tpu.memory_space<vmem>>
    %dma_wait3A_73 = tpu.memref_squeeze %dma_wait3A_72 : memref<1x16x1024xf32, #tpu.memory_space<vmem>> -> memref<16x1024xf32, #tpu.memory_space<vmem>>
    %dma_wait3A_74 = arith.constant 0 : i32
    %dma_wait3A_75 = tpu.memref_slice %arg8[%dma_wait3A_68, %multiple_of3A, %dma_wait3A_74] : memref<64x512x1024xf32, #tpu.memory_space<hbm>> -> memref<1x16x1024xf32, #tpu.memory_space<hbm>>
    %dma_wait3A_76 = tpu.memref_squeeze %dma_wait3A_75 : memref<1x16x1024xf32, #tpu.memory_space<hbm>> -> memref<16x1024xf32, #tpu.memory_space<hbm>>
    %dma_wait3A_77 = tpu.memref_slice %arg21[%dma_wait3A_69] : memref<2x!tpu.dma_semaphore, #tpu.memory_space<semaphore_mem>> -> memref<1x!tpu.dma_semaphore, #tpu.memory_space<semaphore_mem>>
    %dma_wait3A_78 = tpu.memref_squeeze %dma_wait3A_77 : memref<1x!tpu.dma_semaphore, #tpu.memory_space<semaphore_mem>> -> memref<!tpu.dma_semaphore, #tpu.memory_space<semaphore_mem>>
    %dma_wait3A_79 = arith.constant 0 : i32
    %dma_wait3A_80 = tpu.memref_slice %arg8[%dma_wait3A_68, %multiple_of3A, %dma_wait3A_79] : memref<64x512x1024xf32, #tpu.memory_space<hbm>> -> memref<1x16x1024xf32, #tpu.memory_space<hbm>>
    %dma_wait3A_81 = tpu.memref_squeeze %dma_wait3A_80 : memref<1x16x1024xf32, #tpu.memory_space<hbm>> -> memref<16x1024xf32, #tpu.memory_space<hbm>>
    %dma_wait3A_82 = arith.constant 0 : i32
    %dma_wait3A_83 = arith.constant 0 : i32
    %dma_wait3A_84 = tpu.memref_slice %arg14[%dma_wait3A_67, %dma_wait3A_82, %dma_wait3A_83] : memref<2x16x1024xf32, #tpu.memory_space<vmem>> -> memref<1x16x1024xf32, #tpu.memory_space<vmem>>
    %dma_wait3A_85 = tpu.memref_squeeze %dma_wait3A_84 : memref<1x16x1024xf32, #tpu.memory_space<vmem>> -> memref<16x1024xf32, #tpu.memory_space<vmem>>
    tpu.wait_dma2 semaphore(%dma_wait3A_78 : memref<!tpu.dma_semaphore, #tpu.memory_space<semaphore_mem>>) src(%dma_wait3A_85 : memref<16x1024xf32, #tpu.memory_space<vmem>>) dst(%dma_wait3A_81 : memref<16x1024xf32, #tpu.memory_space<hbm>>)
    %dma_wait3A_86 = arith.constant 1 : i32
    %dma_wait3A_87 = arith.constant 0 : i32
    %dma_wait3A_88 = arith.constant 1 : i32
    %dma_wait3A_89 = arith.constant 0 : i32
    %dma_wait3A_90 = arith.constant 0 : i32
    %dma_wait3A_91 = tpu.memref_slice %arg13[%dma_wait3A_86, %dma_wait3A_89, %dma_wait3A_90] : memref<2x16x1024xf32, #tpu.memory_space<vmem>> -> memref<1x16x1024xf32, #tpu.memory_space<vmem>>
    %dma_wait3A_92 = tpu.memref_squeeze %dma_wait3A_91 : memref<1x16x1024xf32, #tpu.memory_space<vmem>> -> memref<16x1024xf32, #tpu.memory_space<vmem>>
    %dma_wait3A_93 = arith.constant 0 : i32
    %dma_wait3A_94 = tpu.memref_slice %arg6[%dma_wait3A_87, %multiple_of3A, %dma_wait3A_93] : memref<64x512x1024xf32, #tpu.memory_space<hbm>> -> memref<1x16x1024xf32, #tpu.memory_space<hbm>>
    %dma_wait3A_95 = tpu.memref_squeeze %dma_wait3A_94 : memref<1x16x1024xf32, #tpu.memory_space<hbm>> -> memref<16x1024xf32, #tpu.memory_space<hbm>>
    %dma_wait3A_96 = tpu.memref_slice %arg20[%dma_wait3A_88] : memref<2x!tpu.dma_semaphore, #tpu.memory_space<semaphore_mem>> -> memref<1x!tpu.dma_semaphore, #tpu.memory_space<semaphore_mem>>
    %dma_wait3A_97 = tpu.memref_squeeze %dma_wait3A_96 : memref<1x!tpu.dma_semaphore, #tpu.memory_space<semaphore_mem>> -> memref<!tpu.dma_semaphore, #tpu.memory_space<semaphore_mem>>
    %dma_wait3A_98 = arith.constant 0 : i32
    %dma_wait3A_99 = tpu.memref_slice %arg6[%dma_wait3A_87, %multiple_of3A, %dma_wait3A_98] : memref<64x512x1024xf32, #tpu.memory_space<hbm>> -> memref<1x16x1024xf32, #tpu.memory_space<hbm>>
    %dma_wait3A_100 = tpu.memref_squeeze %dma_wait3A_99 : memref<1x16x1024xf32, #tpu.memory_space<hbm>> -> memref<16x1024xf32, #tpu.memory_space<hbm>>
    %dma_wait3A_101 = arith.constant 0 : i32
    %dma_wait3A_102 = arith.constant 0 : i32
    %dma_wait3A_103 = tpu.memref_slice %arg13[%dma_wait3A_86, %dma_wait3A_101, %dma_wait3A_102] : memref<2x16x1024xf32, #tpu.memory_space<vmem>> -> memref<1x16x1024xf32, #tpu.memory_space<vmem>>
    %dma_wait3A_104 = tpu.memref_squeeze %dma_wait3A_103 : memref<1x16x1024xf32, #tpu.memory_space<vmem>> -> memref<16x1024xf32, #tpu.memory_space<vmem>>
    tpu.wait_dma2 semaphore(%dma_wait3A_97 : memref<!tpu.dma_semaphore, #tpu.memory_space<semaphore_mem>>) src(%dma_wait3A_104 : memref<16x1024xf32, #tpu.memory_space<vmem>>) dst(%dma_wait3A_100 : memref<16x1024xf32, #tpu.memory_space<hbm>>)
    %dma_wait3A_105 = arith.constant 1 : i32
    %dma_wait3A_106 = arith.constant 0 : i32
    %dma_wait3A_107 = arith.constant 1 : i32
    %dma_wait3A_108 = arith.constant 0 : i32
    %dma_wait3A_109 = arith.constant 0 : i32
    %dma_wait3A_110 = tpu.memref_slice %arg14[%dma_wait3A_105, %dma_wait3A_108, %dma_wait3A_109] : memref<2x16x1024xf32, #tpu.memory_space<vmem>> -> memref<1x16x1024xf32, #tpu.memory_space<vmem>>
    %dma_wait3A_111 = tpu.memref_squeeze %dma_wait3A_110 : memref<1x16x1024xf32, #tpu.memory_space<vmem>> -> memref<16x1024xf32, #tpu.memory_space<vmem>>
    %dma_wait3A_112 = arith.constant 0 : i32
    %dma_wait3A_113 = tpu.memref_slice %arg8[%dma_wait3A_106, %multiple_of3A, %dma_wait3A_112] : memref<64x512x1024xf32, #tpu.memory_space<hbm>> -> memref<1x16x1024xf32, #tpu.memory_space<hbm>>
    %dma_wait3A_114 = tpu.memref_squeeze %dma_wait3A_113 : memref<1x16x1024xf32, #tpu.memory_space<hbm>> -> memref<16x1024xf32, #tpu.memory_space<hbm>>
    %dma_wait3A_115 = tpu.memref_slice %arg21[%dma_wait3A_107] : memref<2x!tpu.dma_semaphore, #tpu.memory_space<semaphore_mem>> -> memref<1x!tpu.dma_semaphore, #tpu.memory_space<semaphore_mem>>
    %dma_wait3A_116 = tpu.memref_squeeze %dma_wait3A_115 : memref<1x!tpu.dma_semaphore, #tpu.memory_space<semaphore_mem>> -> memref<!tpu.dma_semaphore, #tpu.memory_space<semaphore_mem>>
    %dma_wait3A_117 = arith.constant 0 : i32
    %dma_wait3A_118 = tpu.memref_slice %arg8[%dma_wait3A_106, %multiple_of3A, %dma_wait3A_117] : memref<64x512x1024xf32, #tpu.memory_space<hbm>> -> memref<1x16x1024xf32, #tpu.memory_space<hbm>>
    %dma_wait3A_119 = tpu.memref_squeeze %dma_wait3A_118 : memref<1x16x1024xf32, #tpu.memory_space<hbm>> -> memref<16x1024xf32, #tpu.memory_space<hbm>>
    %dma_wait3A_120 = arith.constant 0 : i32
    %dma_wait3A_121 = arith.constant 0 : i32
    %dma_wait3A_122 = tpu.memref_slice %arg14[%dma_wait3A_105, %dma_wait3A_120, %dma_wait3A_121] : memref<2x16x1024xf32, #tpu.memory_space<vmem>> -> memref<1x16x1024xf32, #tpu.memory_space<vmem>>
    %dma_wait3A_123 = tpu.memref_squeeze %dma_wait3A_122 : memref<1x16x1024xf32, #tpu.memory_space<vmem>> -> memref<16x1024xf32, #tpu.memory_space<vmem>>
    tpu.wait_dma2 semaphore(%dma_wait3A_116 : memref<!tpu.dma_semaphore, #tpu.memory_space<semaphore_mem>>) src(%dma_wait3A_123 : memref<16x1024xf32, #tpu.memory_space<vmem>>) dst(%dma_wait3A_119 : memref<16x1024xf32, #tpu.memory_space<hbm>>)
    "tpu.region"() ({
      %run_scoped3A = tpu.sem_alloc : memref<!tpu.dma_semaphore, #tpu.memory_space<semaphore_mem>>
      %dma_start3A_124 = arith.constant 0 : i32
      %dma_start3A_125 = arith.constant 0 : i32
      %dma_start3A_126 = tpu.memref_slice %arg7[%add3A, %dma_start3A_124, %dma_start3A_125] : memref<32x64x16xf32, #tpu.memory_space<hbm>> -> memref<1x64x16xf32, #tpu.memory_space<hbm>>
      %dma_start3A_127 = tpu.memref_squeeze %dma_start3A_126 : memref<1x64x16xf32, #tpu.memory_space<hbm>> -> memref<64x16xf32, #tpu.memory_space<hbm>>
      %dma_start3A_128 = arith.constant 0 : i32
      %dma_start3A_129 = arith.constant 0 : i32
      %dma_start3A_130 = tpu.memref_slice %arg7[%add3A, %dma_start3A_128, %dma_start3A_129] : memref<32x64x16xf32, #tpu.memory_space<hbm>> -> memref<1x64x16xf32, #tpu.memory_space<hbm>>
      %dma_start3A_131 = tpu.memref_squeeze %dma_start3A_130 : memref<1x64x16xf32, #tpu.memory_space<hbm>> -> memref<64x16xf32, #tpu.memory_space<hbm>>
      tpu.enqueue_dma source(%arg15 : memref<64x16xf32, #tpu.memory_space<vmem>>) target(%dma_start3A_131 : memref<64x16xf32, #tpu.memory_space<hbm>>) target_semaphore(%run_scoped3A : memref<!tpu.dma_semaphore, #tpu.memory_space<semaphore_mem>>)
      %dma_wait3A_132 = arith.constant 0 : i32
      %dma_wait3A_133 = arith.constant 0 : i32
      %dma_wait3A_134 = tpu.memref_slice %arg7[%add3A, %dma_wait3A_132, %dma_wait3A_133] : memref<32x64x16xf32, #tpu.memory_space<hbm>> -> memref<1x64x16xf32, #tpu.memory_space<hbm>>
      %dma_wait3A_135 = tpu.memref_squeeze %dma_wait3A_134 : memref<1x64x16xf32, #tpu.memory_space<hbm>> -> memref<64x16xf32, #tpu.memory_space<hbm>>
      %dma_wait3A_136 = arith.constant 0 : i32
      %dma_wait3A_137 = arith.constant 0 : i32
      %dma_wait3A_138 = tpu.memref_slice %arg7[%add3A, %dma_wait3A_136, %dma_wait3A_137] : memref<32x64x16xf32, #tpu.memory_space<hbm>> -> memref<1x64x16xf32, #tpu.memory_space<hbm>>
      %dma_wait3A_139 = tpu.memref_squeeze %dma_wait3A_138 : memref<1x64x16xf32, #tpu.memory_space<hbm>> -> memref<64x16xf32, #tpu.memory_space<hbm>>
      tpu.wait_dma2 semaphore(%run_scoped3A : memref<!tpu.dma_semaphore, #tpu.memory_space<semaphore_mem>>) src(%arg15 : memref<64x16xf32, #tpu.memory_space<vmem>>) dst(%dma_wait3A_139 : memref<64x16xf32, #tpu.memory_space<hbm>>)
      tpu.yield
    }) : () -> ()
    "tpu.region"() ({
      %run_scoped3A = tpu.sem_alloc : memref<!tpu.dma_semaphore, #tpu.memory_space<semaphore_mem>>
      %dma_start3A_124 = arith.constant 0 : i32
      %dma_start3A_125 = arith.constant 0 : i32
      %dma_start3A_126 = tpu.memref_slice %arg9[%add3A, %dma_start3A_124, %dma_start3A_125] : memref<32x64x16xf32, #tpu.memory_space<hbm>> -> memref<1x64x16xf32, #tpu.memory_space<hbm>>
      %dma_start3A_127 = tpu.memref_squeeze %dma_start3A_126 : memref<1x64x16xf32, #tpu.memory_space<hbm>> -> memref<64x16xf32, #tpu.memory_space<hbm>>
      %dma_start3A_128 = arith.constant 0 : i32
      %dma_start3A_129 = arith.constant 0 : i32
      %dma_start3A_130 = tpu.memref_slice %arg9[%add3A, %dma_start3A_128, %dma_start3A_129] : memref<32x64x16xf32, #tpu.memory_space<hbm>> -> memref<1x64x16xf32, #tpu.memory_space<hbm>>
      %dma_start3A_131 = tpu.memref_squeeze %dma_start3A_130 : memref<1x64x16xf32, #tpu.memory_space<hbm>> -> memref<64x16xf32, #tpu.memory_space<hbm>>
      tpu.enqueue_dma source(%arg16 : memref<64x16xf32, #tpu.memory_space<vmem>>) target(%dma_start3A_131 : memref<64x16xf32, #tpu.memory_space<hbm>>) target_semaphore(%run_scoped3A : memref<!tpu.dma_semaphore, #tpu.memory_space<semaphore_mem>>)
      %dma_wait3A_132 = arith.constant 0 : i32
      %dma_wait3A_133 = arith.constant 0 : i32
      %dma_wait3A_134 = tpu.memref_slice %arg9[%add3A, %dma_wait3A_132, %dma_wait3A_133] : memref<32x64x16xf32, #tpu.memory_space<hbm>> -> memref<1x64x16xf32, #tpu.memory_space<hbm>>
      %dma_wait3A_135 = tpu.memref_squeeze %dma_wait3A_134 : memref<1x64x16xf32, #tpu.memory_space<hbm>> -> memref<64x16xf32, #tpu.memory_space<hbm>>
      %dma_wait3A_136 = arith.constant 0 : i32
      %dma_wait3A_137 = arith.constant 0 : i32
      %dma_wait3A_138 = tpu.memref_slice %arg9[%add3A, %dma_wait3A_136, %dma_wait3A_137] : memref<32x64x16xf32, #tpu.memory_space<hbm>> -> memref<1x64x16xf32, #tpu.memory_space<hbm>>
      %dma_wait3A_139 = tpu.memref_squeeze %dma_wait3A_138 : memref<1x64x16xf32, #tpu.memory_space<hbm>> -> memref<64x16xf32, #tpu.memory_space<hbm>>
      tpu.wait_dma2 semaphore(%run_scoped3A : memref<!tpu.dma_semaphore, #tpu.memory_space<semaphore_mem>>) src(%arg16 : memref<64x16xf32, #tpu.memory_space<vmem>>) dst(%dma_wait3A_139 : memref<64x16xf32, #tpu.memory_space<hbm>>)
      tpu.yield
    }) : () -> ()
    return
  }
}

</mosaic_0001>

<sc_bundles>
// kernel: kernel.3.cloned.1.call-start
scs
__scs_entry_jumppad:
0x0: {  	(pc) =	sbr.rel $0x88, $3  }
0x1: {  	(tag) =	ssettag $0x0;
	lr =	simm.s32 $0x1  }
0x2: {  	[smem:$0x3F9D] =	sst lr;
	_ =	strace $0xD0000000  }
0x3: {  	_ = 	snop  }
0x4: {  	_ = 	snop  }
0x5: {  	_ = 	snop  }
0x6: {  	_ = 	snop  }
0x7: {  	_ = 	snop  }
__scs_overlays_trampoline_lowered:
0x8: {  	[smem:$0x3FAC] =	sst s0  }
0x9: {  	[smem:$0x3FAD] =	sst s1  }
0xa: {  	[smem:$0x3FAE] =	sst s2  }
0xb: {  	[smem:$0x3FAF] =	sst s3  }
0xc: {  	[smem:$0x3FB0] =	sst s4  }
0xd: {  	[smem:$0x3FB1] =	sst s5  }
0xe: {  	[smem:$0x3FB2] =	sst s6  }
0xf: {  	[smem:$0x3FB3] =	sst s7  }
0x10: {  	[smem:$0x3FB4] =	sst s8  }
0x11: {  	[smem:$0x3FB5] =	sst s9;
	s0 =	simm.s32 @!p0 $0x0  }
0x12: {  	s1 =	sld [smem:$0x3F9B];
	s0 =	simm.s32 @p0 $0x1  }
0x13: {  	[smem:$0x3FB6] =	sst s0;
	s0 =	simm.s32 @!p1 $0x0  }
0x14: {  	s2 =	sld [smem:$0x3F9A];
	s0 =	simm.s32 @p1 $0x1  }
0x15: {  	[smem:$0x3FB7] =	sst s0;
	s0 =	simm.s32 @!p2 $0x0  }
0x16: {  	s3 =	sld [smem:$0x3FDB];
	s0 =	simm.s32 @p2 $0x1  }
0x17: {  	s4 =	simm.s32 $0x1BF5;
	[smem:$0x3FB9] =	sst s0  }
0x18: {  	s0 =	sld [smem:$0x3F9C];
	_ =	swait.ge [sflag:s4], $0x0  }
0x19: {  	s7 =	sld [smem:$0x3F9D]  }
0x1a: {  	s8 =	sadd.s32 $0xFFFFE003, lr  }
0x1b: {  	s9 =	sadd.s32 $0xFFFFFEF7, lr;
	s5 =	simm.s32 $0xFFFFFFFF;
	p2 =	slt.u32 s8, $0xFFFFF086  }
0x1c: {  	p1 =	slt.u32 s9, $0xF7A;
	s5 =	simm.s32 @!p2 $0x0  }
0x1d: {  	s5 =	simm.s32 @p1 $0x1;
	p0 =	seq.s32 s7, s2  }
0x1e: {  	s7 =	smul.u32 @!p0 $0xF7A, s2;
	p2 =	seq.s32 @!p0 s5, $0x0  }
0x1f: {  	s9 =	smul.u32 $0xF7A, s1;
	s8 =	simm.s32 @!p0 $0x1BF5;
	p2 =	por !p2, p0  }
0x20: {  	[sflag:s8] =	ssyncset.s32 @!p0 $0xFFFFF086;
	s6 =	sadd.s32 @!p0 s3, s7;
	s7 =	simm.s32 @!p0 $0x108  }
0x21: {  	s3 =	sadd.s32 s3, s9;
	s6 =	sadd.s32 @!p0 $0x88, s6;
	s7 =	simm.s32 @p2 $0x1082  }
0x22: {  	[simem:s7], [sflag:s8] =	dma.local @!p0 [hbm:s6], $0xF7A  }
0x23: {  	s9 =	sor.u32 $0xD0000000, s2;
	s6 =	simm.s32 $0x108;
	_ =	swait.ge @!p0 [sflag:s8], $0x0  }
0x24: {  	s3 =	sadd.s32 $0x88, s3;
	s6 =	simm.s32 @!p1 $0x1082;
	[sflag:s4] =	ssyncset.s32 $0xFFFFF086  }
0x25: {  	[simem:s6], [sflag:s4] =	dma.local [hbm:s3], $0xF7A  }
0x26: {  	[smem:$0x3F9D] =	sst s1;
	(tag) =	ssettag s2;
	_ =	strace s9  }
0x27: {  	s1 =	sld [smem:$0x3FAD]  }
0x28: {  	s2 =	sld [smem:$0x3FAE]  }
0x29: {  	s4 =	sld [smem:$0x3FB0]  }
0x2a: {  	p0 =	seq.s32 s5, $0x0;
	s5 =	sld [smem:$0x3FB1]  }
0x2b: {  	s6 =	sld [smem:$0x3FB2]  }
0x2c: {  	s7 =	sld [smem:$0x3FB3]  }
0x2d: {  	s3 =	simm.s32 $0x108;
	s8 =	sld [smem:$0x3FB4]  }
0x2e: {  	s3 =	simm.s32 @!p0 $0x1082;
	s9 =	sld [smem:$0x3FB5]  }
0x2f: {  	lr =	sadd.s32 s0, s3;
	s0 =	sld [smem:$0x3FAC]  }
0x30: {  	s3 =	sld [smem:$0x3FAF]  }
0x31: {  	[smem:$0x3FB8] =	sst s10  }
0x32: {  	s10 =	sld [smem:$0x3FB6];
	_ =	sdelay $0x3  }
0x33: {  	p0 =	seq.s32 s10, $0x1;
	s10 =	sld [smem:$0x3FB8];
	_ =	sdelay $0x3  }
0x34: {  	[smem:$0x3FB8] =	sst s10  }
0x35: {  	s10 =	sld [smem:$0x3FB7];
	_ =	sdelay $0x3  }
0x36: {  	p1 =	seq.s32 s10, $0x1;
	s10 =	sld [smem:$0x3FB8];
	_ =	sdelay $0x3  }
0x37: {  	[smem:$0x3FB8] =	sst s10  }
0x38: {  	s10 =	sld [smem:$0x3FB9]  }
0x39: {  	_ = 	snop;
	(pc) =	sbr.ind lr, $3  }
0x3a: {  	_ = 	snop  }
0x3b: {  	_ = 	snop  }
0x3c: {  	p2 =	seq.s32 s10, $0x1;
	s10 =	sld [smem:$0x3FB8]  }
0x3d: {  	_ =	shalt  }
0x3e: {  	_ =	shalt  }
0x3f: {  	_ =	shalt  }
0x40: {  	_ =	shalt  }
0x41: {  	_ =	shalt  }
0x42: {  	_ =	shalt  }
0x43: {  	_ =	shalt  }
0x44: {  	_ =	shalt  }
0x45: {  	_ =	shalt  }
0x46: {  	_ =	shalt  }
0x47: {  	_ =	shalt  }
0x48: {  	_ =	shalt  }
0x49: {  	_ =	shalt  }
0x4a: {  	_ =	shalt  }
0x4b: {  	_ =	shalt  }
0x4c: {  	_ =	shalt  }
0x4d: {  	_ =	shalt  }
0x4e: {  	_ =	shalt  }
0x4f: {  	_ =	shalt  }
0x50: {  	_ =	shalt  }
0x51: {  	_ =	shalt  }
0x52: {  	_ =	shalt  }
0x53: {  	_ =	shalt  }
0x54: {  	_ =	shalt  }
0x55: {  	_ =	shalt  }
0x56: {  	_ =	shalt  }
0x57: {  	_ =	shalt  }
0x58: {  	_ =	shalt  }
0x59: {  	_ =	shalt  }
0x5a: {  	_ =	shalt  }
0x5b: {  	_ =	shalt  }
0x5c: {  	_ =	shalt  }
0x5d: {  	_ =	shalt  }
0x5e: {  	_ =	shalt  }
0x5f: {  	_ =	shalt  }
0x60: {  	_ =	shalt  }
0x61: {  	_ =	shalt  }
0x62: {  	_ =	shalt  }
0x63: {  	_ =	shalt  }
0x64: {  	_ =	shalt  }
0x65: {  	_ =	shalt  }
0x66: {  	_ =	shalt  }
0x67: {  	_ =	shalt  }
0x68: {  	_ =	shalt  }
0x69: {  	_ =	shalt  }
0x6a: {  	_ =	shalt  }
0x6b: {  	_ =	shalt  }
0x6c: {  	_ =	shalt  }
0x6d: {  	_ =	shalt  }
0x6e: {  	_ =	shalt  }
0x6f: {  	_ =	shalt  }
0x70: {  	_ =	shalt  }
0x71: {  	_ =	shalt  }
0x72: {  	_ =	shalt  }
0x73: {  	_ =	shalt  }
0x74: {  	_ =	shalt  }
0x75: {  	_ =	shalt  }
0x76: {  	_ =	shalt  }
0x77: {  	_ =	shalt  }
0x78: {  	_ =	shalt  }
0x79: {  	_ =	shalt  }
0x7a: {  	_ =	shalt  }
0x7b: {  	_ =	shalt  }
0x7c: {  	_ =	shalt  }
0x7d: {  	_ =	shalt  }
0x7e: {  	_ =	shalt  }
0x7f: {  	_ =	shalt  }
0x80: {  	_ =	shalt  }
0x81: {  	_ =	shalt  }
0x82: {  	_ =	shalt  }
0x83: {  	_ =	shalt  }
0x84: {  	_ =	shalt  }
0x85: {  	_ =	shalt  }
0x86: {  	_ =	shalt  }
0x87: {  	_ =	shalt  }
.Lfunc_end0:
.L_simem_size_0:
called_computation.1_lowered:
.L_overlay_start_0:
0x88: {  	s2 =	sld [smem:$0x3FD9]  }
0x89: {  	s3 =	sld [smem:$0x3FFE];
	_ =	sdelay $0x1  }
0x8a: {  	s1 =	srdreg.scid  }
0x8b: {  	s0 =	sand.u32 $0x1, s1  }
0x8c: {  	s14 =	sshll.u32 s0, $0xA;
	s2 =	sadd.s32 s3, s2  }
0x8d: {  	s2 =	sadd.s32 s2, s14  }
0x8e: {  	[smem:$0x3FC4] =	sst s2  }
0x8f: {  	_ = 	snop  }
0x90: {  	s2 =	sld [smem:$0x3FD0];
	_ =	sdelay $0x1  }
0x91: {  	s15 =	sld [smem:$0x3FC7]  }
0x92: {  	s5 =	simm.s32 $0xA;
	s6 =	simm.s32 $0x10;
	s4 =	sld [smem:$0x3FC6]  }
0x93: {  	[smem:s6], [sflag:s5] =	dma.local [hbm:s2], $0x1  }
0x94: {  	_ =	swait.eq [sflag:s5], $0x1  }
0x95: {  	s16 =	sld [smem:$0x10];
	[sflag:s5] =	ssyncset.done $0x0  }
0x96: {  	s17 =	sld [smem:$0x14];
	[sflag:s5] =	ssyncadd.s32 $0xFFFFFFFF  }
0x97: {  	s18 =	sld [smem:$0x15];
	(tm) =	ssettm $0x1  }
0x98: {  	s7 =	sld [smem:$0x3FFB];
	_ =	sdelay $0x3  }
0x99: {  	_ =	strace s7  }
0x9a: {  	s7 =	sld [smem:$0x3FFC];
	_ =	sdelay $0x3  }
0x9b: {  	_ =	strace s7  }
0x9c: {  	s7 =	sld [smem:$0x3FFD];
	_ =	sdelay $0x3  }
0x9d: {  	_ =	strace s7  }
0x9e: {  	_ =	strace $0x8FFFFFFF  }
0x9f: {  	s19 =	sld [smem:$0x3FDB];
	_ =	sdelay $0x1  }
0xa0: {  	s8 =	simm.s32 $_scs_section_size  }
0xa1: {  	s9 =	simm.s32 $_size__tile_overlayer_lowered;
	s10 =	simm.s32 $_tile_overlayer_lowered  }
0xa2: {  	s22 =	simm.s32 $0x1BFF;
	s21 =	sshll.u32 s10, $0x1;
	s7 =	sadd.s32 s8, s19  }
0xa3: {  	s11 =	simm.s32 $0x0;
	s20 =	sshll.u32 s9, $0x1;
	s9 =	sadd.s32 s21, s7  }
0xa4: {  	[timem:s11], [sflag:s22] =	dma.local [hbm:s9], s20  }
0xa5: {  	_ =	swait.ge [sflag:s22], s20  }
0xa6: {  	s8 =	ssub.s32 $0x0, s20;
	[sflag:s22] =	ssyncset.done $0x0  }
0xa7: {  	[sflag:s22] =	ssyncadd.s32 s8;
	_ =	sdelay $0x1  }
0xa8: {  	s23 =	simm.s32 $0x1B8B  }
0xa9: {  	_ =	swait.ge [sflag:s23], $0x1  }
0xaa: {  	[sflag:s23] =	ssyncset.done $0x0  }
0xab: {  	s25 =	simm.s32 $0x1B8E;
	s24 =	sld [smem:$0x3FFE];
	[sflag:s23] =	ssyncadd.s32 $0xFFFFFFFF  }
0xac: {  	s26 =	simm.s32 $execute0_lowered;
	[smem:$0x3FD2] =	sst s25  }
0xad: {  	s9 =	sshll.u32 s26, $0x1;
	_ =	strace $0x80000046;
	[dreg:$0x1] =	wrdreg $0xFFFFFFFF  }
0xae: {  	s28 =	simm.s32 $_size_execute0_lowered;
	s7 =	sadd.s32 s7, s9;
	[dreg:$0x0] =	wrdreg $0x0  }
0xaf: {  	s9 =	sshll.u32 s28, $0x1;
	[dreg:$0x2] =	wrdreg s7  }
0xb0: {  	[dreg:$0x3] =	wrdreg s9  }
0xb1: {  	[dreg:$0x4] =	wrdreg $0xC0  }
0xb2: {  	_ =	task [dreg:s11], $0x5FFFF  }
0xb3: {  	[dreg:$0x1] =	wrdreg $0xFFFFFFFF  }
0xb4: {  	[dreg:$0x0] =	wrdreg $0x60  }
0xb5: {  	[dreg:$0x2] =	wrdreg s18  }
0xb6: {  	[dreg:$0x3] =	wrdreg s17  }
0xb7: {  	[dreg:$0x4] =	wrdreg s15  }
0xb8: {  	[dreg:$0x5] =	wrdreg s4  }
0xb9: {  	[dreg:$0x6] =	wrdreg s16  }
0xba: {  	[dreg:$0x7] =	wrdreg s24  }
0xbb: {  	[dreg:$0x8] =	wrdreg $0x9  }
0xbc: {  	_ =	task.clear_ibuf [dreg:s11], $0x9FFFF;
	_ =	strace $0x90000046  }
0xbd: {  	s29 =	simm.s32 $0x9;
	_ =	strace $0x80000048  }
0xbe: {  	_ =	swait.ge [sflag:s29], $0x1  }
0xbf: {  	[sflag:s29] =	ssyncadd.s32 $0xFFFFFFFF  }
0xc0: {  	_ =	strace $0x90000048  }
0xc1: {  	_ =	sfence  }
0xc2: {  	s30 =	sld [smem:$0x0];
	_ =	sdelay $0x2  }
0xc3: {  	s31 =	sshll.u32 s1, $0xD;
	s1 =	sshrl.u32 s1, $0x2  }
0xc4: {  	s3 =	sand.u32 $0x4000, s31;
	s1 =	sadd.s32 s1, s30  }
0xc5: {  	s0 =	sor.u32 s3, s0;
	s1 =	sshll.u32 s1, $0x11  }
0xc6: {  	s0 =	sor.u32 s1, s0  }
0xc7: {  	s0 =	sadd.s32 $0x8F2B, s0  }
0xc8: {  	[sflag:s0] =	ssyncadd.remote.s32 $0x1  }
0xc9: {  	_ =	sfence.sel $0xFFFF  }
0xca: {  	[dreg:$0x0] =	wrdreg $0xFFFFFFFF;
	(pc) =	sbr.abs _section_cstart, $3  }
0xcb: {  	[dreg:$0x1] =	wrdreg $0xFFFFFFFF  }
0xcc: {  	_ =	task.clear_ibuf [dreg:s11], $0x2FFFF;
	_ =	strace $0x9FFFFFFF  }
0xcd: {  	(tm) =	ssettm $0x7FFFFFFF  }
tec
execute0_lowered:
.L_overlay_start_1:
0x0: {  	(tag) =	ssettag $0x1  }
0x1: {  	s0 =	rddreg [dreg:$0x0]  }
0x2: {  	s3 =	rddreg [dreg:$0x1]  }
0x3: {  	s1 =	rddreg [dreg:$0x2]  }
0x4: {  	s7 =	rddreg [dreg:$0x3]  }
0x5: {  	s6 =	rddreg [dreg:$0x5];
	s4 =	simm.s32 $0x0;
	s5 =	srdreg.scid  }
0x6: {  	s2 =	stileid.u32;
	s17 =	simm.s32 $0x1;
	[smem:$0x7FF] =	sst s4  }
0x7: {  	s11 =	sand.u32 $0x1, s5;
	s22 =	sshll.u32 s2, $0x1;
	s23 =	sadd.s32 $0x11400, s6  }
0x8: {  	s26 =	sadd.s32 $0x100, s1;
	s31 =	sshll.u32 s2, $0x2;
	s2 =	simm.s32 $0x0  }
0x9: {  	_ =	strace $0x80000047;
	s8 =	sor.u32 s11, s22;
	[dreg:$0x7] =	wrdreg s23  }
0xa: {  	s10 =	ssub.s32 $0x2, s11;
	[dreg:$0xa] =	wrdreg s26;
	s0 =	sadd.s32 s31, s0  }
0xb: {  	s11 =	sshll.u32 s11, $0x1;
	s3 =	sadd.s32 s31, s3;
	s9 =	sshll.u32 s8, $0xA  }
0xc: {  	s24 =	sshrl.u32 s10, $0x1;
	s25 =	sshll.u32 s8, $0xB;
	s14 =	sadd.s32 s11, s0  }
0xd: {  	s12 =	sadd.s32 s9, s6;
	[dreg:$0x8] =	wrdreg s25;
	s5 =	sadd.s32 s7, s25  }
0xe: {  	s15 =	sadd.s32 s11, s3;
	[dreg:$0x9] =	wrdreg s5;
	s28 =	sadd.s32 $0x1400, s12  }
0xf: {  	v2 =	vlaneseq.u32;
	s13 =	ssub.s32 s10, s24;
	s29 =	sadd.s32 $0x9400, s12;
	[dreg:$0xb] =	wrdreg s28  }
0x10: {  	vm0 =	vmmov $0xffff;
	v3 =	vimm.f32 $0.0e+00;
	v1 =	vshrl.u32 v2, $0x3;
	s9 =	sadd.s32 $0x200, s1;
	s30 =	smax.u32 s13, $0x1;
	[dreg:$0xc] =	wrdreg s29  }
0x11: {  	v0 =	vand.u32 $0x7, v2;
	v2 =	vor.u32 $0x8, v2;
	v1 =	vmul.u32 $0x8, v1;
	s10 =	sadd.s32 $0x300, s1;
	s1 =	simm.s32 $0xA;
	[dreg:$0xd] =	wrdreg s30  }
.LBB2_1:
0x12: {  	s0 =	simm.s32 $0x4000;
	s3 =	sadd.s32 $0x0, s14;
	s31 =	sadd.s32 $0x0, s15  }
0x13: {  	[tilespmem:s0], [sflag:$0x1] =	stream.linear.gather [hbm4b:s3+s4], $0x10, $0x38;
	[tilespmem:$0x1C000] =	vst v63  }
0x14: {  	s7 =	simm.s32 $0x4080;
	s0 =	simm.s32 $0x6000;
	s3 =	simm.s32 $0x40  }
0x15: {  	[tilespmem:s0], [sflag:$0x1] =	stream.linear.gather [hbm4b:s31+s4], $0x10, $0x38;
	[tilespmem:$0x1C000] =	vst v63  }
.LBB2_2:
0x16: {  	s11 =	sadd.s32 s3, s14  }
0x17: {  	p0 =	sne.s32 s3, $0xFC0;
	s12 =	smov.u32 s3;
	s3 =	sadd.s32 $0x40, s3  }
0x18: {  	[tilespmem:s7], [sflag:$0x1] =	stream.linear.gather [hbm4b:s11+s4], $0x10, $0x38;
	[tilespmem:$0x1C000] =	vst v63  }
.Ltmp0:
0x19: {  	_ = 	snop;
	(pc) =	sbr.rel @p0 .LBB2_2-.Ltmp0, $4  }
0x1a: {  	s0 =	sadd.s32 $0x80, s0;
	s11 =	sadd.s32 s12, s15  }
0x1b: {  	[tilespmem:s0], [sflag:$0x1] =	stream.linear.gather [hbm4b:s11+s4], $0x10, $0x38;
	[tilespmem:$0x1C000] =	vst v63  }
0x1c: {  	_ = 	snop  }
0x1d: {  	s7 =	sadd.s32 $0x80, s7  }
0x1e: {  	[dreg:$0xe] =	wrdreg s2  }
0x1f: {  	s0 =	rddreg [dreg:$0x9]  }
0x20: {  	[tilespmem:s4], [sflag:$0xA] =	stream.linear.gather [hbm4b:s0+s4], $0x4000, $0x38;
	[tilespmem:$0x1C000] =	vst v63  }
0x21: {  	_ =	swait.ge [sflag:s1], $0x4000  }
0x22: {  	[sflag:s1] =	ssyncset.done $0x0  }
0x23: {  	[sflag:s1] =	ssyncadd.s32 $0xFFFFC000  }
0x24: {  	_ =	swait.ge [sflag:s17], $0x10  }
0x25: {  	[sflag:s17] =	ssyncset.done $0x0  }
0x26: {  	[sflag:s17] =	ssyncadd.s32 $0xFFFFFFF0  }
0x27: {  	_ =	swait.ge [sflag:s17], $0x10  }
0x28: {  	s0 =	simm.s32 $0x3F;
	[sflag:s17] =	ssyncset.done $0x0  }
.LBB2_4:
0x29: {  	p0 =	sne.s32 s0, $0x1;
	s0 =	sadd.s32 $0xFFFFFFFF, s0;
	[sflag:s17] =	ssyncadd.s32 $0xFFFFFFF0  }
.Ltmp1:
0x2a: {  	_ =	swait.ge [sflag:s17], $0x10;
	(pc) =	sbr.rel @p0 .LBB2_4-.Ltmp1, $4  }
0x2b: {  	[sflag:s17] =	ssyncset.done $0x0  }
0x2c: {  	[sflag:s17] =	ssyncadd.s32 $0xFFFFFFF0  }
0x2d: {  	_ =	swait.ge [sflag:s17], $0x10  }
0x2e: {  	[sflag:s17] =	ssyncset.done $0x0  }
0x2f: {  	[sflag:s17] =	ssyncadd.s32 $0xFFFFFFF0  }
0x30: {  	v4 =	vld [tilespmem:$0x4000];
	_ =	sdelay $0x4  }
0x31: {  	v5 =	vshll.u32 v4, $0x3  }
0x32: {  	v4 =	vand.u32 $0x7, v4;
	v5 =	vand.u32 $0xFFFFFFC0, v5  }
0x33: {  	v4 =	vor.u32 v4, v5  }
0x34: {  	v5 =	vperm.xlane v4, v0;
	_ =	sdelay $0x1  }
0x35: {  	v5 =	vadd.s32 v1, v5;
	_ =	sdelay $0x3  }
0x36: {  	s26 =	simm.s32 $0x0;
	s1 =	simm.s32 $0x8000;
	s0 =	rddreg [dreg:$0x2]  }
0x37: {  	[tilespmem:s1], [sflag:$0x2] =	stream.indirect_vreg.gather [hbm4b:s0+s26], $0x80, v5, vm0, $0xb8;
	[tilespmem:$0x1C000] =	vst v63  }
0x38: {  	s12 =	rddreg [dreg:$0xa];
	s2 =	simm.s32 $0x8800;
	v4 =	vperm.xlane v4, v2  }
0x39: {  	[tilespmem:s2], [sflag:$0x2] =	stream.indirect_vreg.gather [hbm4b:s12+s26], $0x80, v5, vm0, $0xb8;
	[tilespmem:$0x1C000] =	vst v63  }
0x3a: {  	s13 =	simm.s32 $0x9000;
	v4 =	vadd.s32 v1, v4  }
0x3b: {  	[tilespmem:s13], [sflag:$0x2] =	stream.indirect_vreg.gather [hbm4b:s9+s26], $0x80, v5, vm0, $0xb8;
	[tilespmem:$0x1C000] =	vst v63  }
0x3c: {  	s16 =	simm.s32 $0x9800  }
0x3d: {  	[tilespmem:s16], [sflag:$0x2] =	stream.indirect_vreg.gather [hbm4b:s10+s26], $0x80, v5, vm0, $0xb8;
	[tilespmem:$0x1C000] =	vst v63  }
0x3e: {  	s18 =	simm.s32 $0xA000  }
0x3f: {  	[tilespmem:s18], [sflag:$0x2] =	stream.indirect_vreg.gather [hbm4b:s0+s26], $0x80, v4, vm0, $0xb8;
	[tilespmem:$0x1C000] =	vst v63  }
0x40: {  	s19 =	simm.s32 $0xA800  }
0x41: {  	[tilespmem:s19], [sflag:$0x2] =	stream.indirect_vreg.gather [hbm4b:s12+s26], $0x80, v4, vm0, $0xb8;
	[tilespmem:$0x1C000] =	vst v63  }
0x42: {  	s20 =	simm.s32 $0xB000  }
0x43: {  	[tilespmem:s20], [sflag:$0x2] =	stream.indirect_vreg.gather [hbm4b:s9+s26], $0x80, v4, vm0, $0xb8;
	[tilespmem:$0x1C000] =	vst v63  }
0x44: {  	s21 =	simm.s32 $0xB800  }
0x45: {  	[tilespmem:s21], [sflag:$0x2] =	stream.indirect_vreg.gather [hbm4b:s10+s26], $0x80, v4, vm0, $0xb8;
	[tilespmem:$0x1C000] =	vst v63  }
0x46: {  	v4 =	vld [tilespmem:$0x6000];
	_ =	sdelay $0x4  }
0x47: {  	v5 =	vshll.u32 v4, $0x3  }
0x48: {  	v4 =	vand.u32 $0x7, v4;
	v5 =	vand.u32 $0xFFFFFFC0, v5  }
0x49: {  	v4 =	vor.u32 v4, v5  }
0x4a: {  	v5 =	vperm.xlane v4, v0;
	_ =	sdelay $0x1  }
0x4b: {  	v5 =	vadd.s32 v1, v5;
	_ =	sdelay $0x3  }
0x4c: {  	s22 =	simm.s32 $0x10000  }
0x4d: {  	[tilespmem:s22], [sflag:$0x4] =	stream.indirect_vreg.gather [hbm4b:s0+s26], $0x80, v5, vm0, $0xb8;
	[tilespmem:$0x1C000] =	vst v63  }
0x4e: {  	s23 =	simm.s32 $0x10800;
	v4 =	vperm.xlane v4, v2  }
0x4f: {  	[tilespmem:s23], [sflag:$0x4] =	stream.indirect_vreg.gather [hbm4b:s12+s26], $0x80, v5, vm0, $0xb8;
	[tilespmem:$0x1C000] =	vst v63  }
0x50: {  	s24 =	simm.s32 $0x11000;
	v4 =	vadd.s32 v1, v4  }
0x51: {  	[tilespmem:s24], [sflag:$0x4] =	stream.indirect_vreg.gather [hbm4b:s9+s26], $0x80, v5, vm0, $0xb8;
	[tilespmem:$0x1C000] =	vst v63  }
0x52: {  	s25 =	simm.s32 $0x11800  }
0x53: {  	[tilespmem:s25], [sflag:$0x4] =	stream.indirect_vreg.gather [hbm4b:s10+s26], $0x80, v5, vm0, $0xb8;
	[tilespmem:$0x1C000] =	vst v63  }
0x54: {  	s28 =	simm.s32 $0x12000  }
0x55: {  	[tilespmem:s28], [sflag:$0x4] =	stream.indirect_vreg.gather [hbm4b:s0+s26], $0x80, v4, vm0, $0xb8;
	[tilespmem:$0x1C000] =	vst v63  }
0x56: {  	s29 =	simm.s32 $0x12800  }
0x57: {  	[tilespmem:s29], [sflag:$0x4] =	stream.indirect_vreg.gather [hbm4b:s12+s26], $0x80, v4, vm0, $0xb8;
	[tilespmem:$0x1C000] =	vst v63  }
0x58: {  	s30 =	simm.s32 $0x13000  }
0x59: {  	[tilespmem:s30], [sflag:$0x4] =	stream.indirect_vreg.gather [hbm4b:s9+s26], $0x80, v4, vm0, $0xb8;
	[tilespmem:$0x1C000] =	vst v63  }
0x5a: {  	s31 =	simm.s32 $0x13800  }
0x5b: {  	[tilespmem:s31], [sflag:$0x4] =	stream.indirect_vreg.gather [hbm4b:s10+s26], $0x80, v4, vm0, $0xb8;
	[tilespmem:$0x1C000] =	vst v63  }
.LBB2_6:
0x5c: {  	p0 =	seq.s32 s26, $0x0  }
.Ltmp2:
0x5d: {  	_ = 	snop;
	(pc) =	sbr.rel @p0 .LBB2_9-.Ltmp2, $3  }
0x5e: {  	_ =	sdelay $0x1  }
0x5f: {  	s28 =	sand.u32 $0x1, s26  }
0x60: {  	s3 =	sxor.u32 $0x1, s28  }
0x61: {  	p0 =	seq.s32 s26, $0x3F  }
.Ltmp3:
0x62: {  	_ = 	snop;
	(pc) =	sbr.rel @p0 .LBB2_10-.Ltmp3, $2  }
0x63: {  	_ =	sdelay $0x2  }
0x64: {  	s0 =	simm.s32 $0x1F80  }
0x65: {  	s0 =	sor.u32 $0x6, s3  }
0x66: {  	_ =	swait.ge [sflag:s0], $0x4000  }
0x67: {  	[sflag:s0] =	ssyncset.done $0x0  }
0x68: {  	s31 =	sor.u32 $0x8, s3;
	[sflag:s0] =	ssyncadd.s32 $0xFFFFC000  }
0x69: {  	_ =	swait.ge [sflag:s31], $0x4000  }
0x6a: {  	[sflag:s31] =	ssyncset.done $0x0  }
0x6b: {  	[sflag:s31] =	ssyncadd.s32 $0xFFFFC000  }
.LBB2_9:
0x6c: {  	s0 =	sshll.u32 s26, $0x7  }
0x6d: {  	v4 =	vld [tilespmem:s0+$0x4080];
	_ =	sdelay $0x4  }
0x6e: {  	v5 =	vshll.u32 v4, $0x3  }
0x6f: {  	v4 =	vand.u32 $0x7, v4;
	v5 =	vand.u32 $0xFFFFFFC0, v5  }
0x70: {  	v4 =	vor.u32 v4, v5  }
0x71: {  	v5 =	vperm.xlane v4, v0;
	_ =	sdelay $0x1  }
0x72: {  	v5 =	vadd.s32 v1, v5;
	_ =	sdelay $0x2  }
0x73: {  	s7 =	sshll.u32 s3, $0xE  }
0x74: {  	s12 =	sor.u32 $0x2, s3;
	s1 =	rddreg [dreg:$0x2];
	s11 =	sor.u32 $0x8000, s7  }
0x75: {  	[tilespmem:s11], [sflag:s12] =	stream.indirect_vreg.gather [hbm4b:s1+s4], $0x80, v5, vm0, $0xb8;
	[tilespmem:$0x1C000] =	vst v63  }
0x76: {  	s2 =	rddreg [dreg:$0xa];
	s6 =	sor.u32 $0x8800, s7;
	v4 =	vperm.xlane v4, v2  }
0x77: {  	[tilespmem:s6], [sflag:s12] =	stream.indirect_vreg.gather [hbm4b:s2+s4], $0x80, v5, vm0, $0xb8;
	[tilespmem:$0x1C000] =	vst v63  }
0x78: {  	s8 =	sor.u32 $0x9000, s7;
	v4 =	vadd.s32 v1, v4  }
0x79: {  	[tilespmem:s8], [sflag:s12] =	stream.indirect_vreg.gather [hbm4b:s9+s4], $0x80, v5, vm0, $0xb8;
	[tilespmem:$0x1C000] =	vst v63  }
0x7a: {  	s13 =	sor.u32 $0x9800, s7  }
0x7b: {  	[tilespmem:s13], [sflag:s12] =	stream.indirect_vreg.gather [hbm4b:s10+s4], $0x80, v5, vm0, $0xb8;
	[tilespmem:$0x1C000] =	vst v63  }
0x7c: {  	s16 =	sor.u32 $0xA000, s7  }
0x7d: {  	[tilespmem:s16], [sflag:s12] =	stream.indirect_vreg.gather [hbm4b:s1+s4], $0x80, v4, vm0, $0xb8;
	[tilespmem:$0x1C000] =	vst v63  }
0x7e: {  	s18 =	sor.u32 $0xA800, s7  }
0x7f: {  	[tilespmem:s18], [sflag:s12] =	stream.indirect_vreg.gather [hbm4b:s2+s4], $0x80, v4, vm0, $0xb8;
	[tilespmem:$0x1C000] =	vst v63  }
0x80: {  	s19 =	sor.u32 $0xB000, s7  }
0x81: {  	[tilespmem:s19], [sflag:s12] =	stream.indirect_vreg.gather [hbm4b:s9+s4], $0x80, v4, vm0, $0xb8;
	[tilespmem:$0x1C000] =	vst v63  }
0x82: {  	s20 =	sor.u32 $0xB800, s7  }
0x83: {  	[tilespmem:s20], [sflag:s12] =	stream.indirect_vreg.gather [hbm4b:s10+s4], $0x80, v4, vm0, $0xb8;
	[tilespmem:$0x1C000] =	vst v63  }
0x84: {  	v4 =	vld [tilespmem:s0+$0x6080];
	_ =	sdelay $0x4  }
0x85: {  	v5 =	vshll.u32 v4, $0x3  }
0x86: {  	v4 =	vand.u32 $0x7, v4;
	v5 =	vand.u32 $0xFFFFFFC0, v5  }
0x87: {  	v4 =	vor.u32 v4, v5  }
0x88: {  	v5 =	vperm.xlane v4, v0;
	_ =	sdelay $0x1  }
0x89: {  	v5 =	vadd.s32 v1, v5;
	_ =	sdelay $0x3  }
0x8a: {  	s22 =	sor.u32 $0x4, s3;
	s21 =	sor.u32 $0x10000, s7  }
0x8b: {  	[tilespmem:s21], [sflag:s22] =	stream.indirect_vreg.gather [hbm4b:s1+s4], $0x80, v5, vm0, $0xb8;
	[tilespmem:$0x1C000] =	vst v63  }
0x8c: {  	s23 =	sor.u32 $0x10800, s7;
	v4 =	vperm.xlane v4, v2  }
0x8d: {  	[tilespmem:s23], [sflag:s22] =	stream.indirect_vreg.gather [hbm4b:s2+s4], $0x80, v5, vm0, $0xb8;
	[tilespmem:$0x1C000] =	vst v63  }
0x8e: {  	s24 =	sor.u32 $0x11000, s7;
	v4 =	vadd.s32 v1, v4  }
0x8f: {  	[tilespmem:s24], [sflag:s22] =	stream.indirect_vreg.gather [hbm4b:s9+s4], $0x80, v5, vm0, $0xb8;
	[tilespmem:$0x1C000] =	vst v63  }
0x90: {  	s25 =	sor.u32 $0x11800, s7  }
0x91: {  	[tilespmem:s25], [sflag:s22] =	stream.indirect_vreg.gather [hbm4b:s10+s4], $0x80, v5, vm0, $0xb8;
	[tilespmem:$0x1C000] =	vst v63  }
0x92: {  	s29 =	sor.u32 $0x12000, s7  }
0x93: {  	[tilespmem:s29], [sflag:s22] =	stream.indirect_vreg.gather [hbm4b:s1+s4], $0x80, v4, vm0, $0xb8;
	[tilespmem:$0x1C000] =	vst v63  }
0x94: {  	s30 =	sor.u32 $0x12800, s7  }
0x95: {  	[tilespmem:s30], [sflag:s22] =	stream.indirect_vreg.gather [hbm4b:s2+s4], $0x80, v4, vm0, $0xb8;
	[tilespmem:$0x1C000] =	vst v63  }
0x96: {  	s31 =	sor.u32 $0x13000, s7  }
0x97: {  	[tilespmem:s31], [sflag:s22] =	stream.indirect_vreg.gather [hbm4b:s9+s4], $0x80, v4, vm0, $0xb8;
	[tilespmem:$0x1C000] =	vst v63  }
0x98: {  	s7 =	sor.u32 $0x13800, s7  }
0x99: {  	[tilespmem:s7], [sflag:s22] =	stream.indirect_vreg.gather [hbm4b:s10+s4], $0x80, v4, vm0, $0xb8;
	[tilespmem:$0x1C000] =	vst v63  }
.LBB2_10:
0x9a: {  	s3 =	sor.u32 $0x2, s28  }
0x9b: {  	_ =	swait.ge [sflag:s3], $0x4000  }
0x9c: {  	[sflag:s3] =	ssyncset.done $0x0  }
0x9d: {  	s22 =	sor.u32 $0x4, s28;
	[sflag:s3] =	ssyncadd.s32 $0xFFFFC000  }
0x9e: {  	_ =	swait.ge [sflag:s22], $0x4000  }
0x9f: {  	[sflag:s22] =	ssyncset.done $0x0  }
0xa0: {  	[sflag:s22] =	ssyncadd.s32 $0xFFFFC000  }
0xa1: {  	v4 =	vld [tilespmem:s0+$0x4000]  }
0xa2: {  	v5 =	vld [tilespmem:s0+$0x6000];
	_ =	sdelay $0x1  }
0xa3: {  	s31 =	simm.s32 $0x0  }
0xa4: {  	s29 =	sshll.u32 s28, $0xE;
	s23 =	simm.s32 $0x0;
	s7 =	sand.u32 $0x1C00, s31  }
0xa5: {  	s11 =	simm.s32 $0x0;
	s12 =	sor.u32 s29, s7;
	s3 =	sand.u32 $0x2000, s23;
	vm1 =	veq.s32 v4, $0x1  }
0xa6: {  	s11 =	sand.u32 $0x380, s11;
	s12 =	sor.u32 s3, s12;
	v4 =	vsel vm1, $0xFF800000, v3;
	vm1 =	veq.s32 v5, $0x1  }
0xa7: {  	s30 =	sor.u32 s11, s12;
	[tilespmem:s0+$0x18000] =	vst v4;
	v4 =	vsel vm1, $0xFF800000, v3  }
0xa8: {  	s24 =	sor.u32 $0x8070, s30;
	[tilespmem:s0+$0x1A000] =	vst v4  }
0xa9: {  	s3 =	sor.u32 s7, s3;
	s16 =	sor.u32 $0x8010, s30;
	v4 =	vld [tilespmem:s24+$0x0]  }
0xaa: {  	s12 =	sor.u32 s11, s3;
	v5 =	vld [tilespmem:s16+$0x0]  }
0xab: {  	s25 =	sor.u32 $0x8020, s30;
	v15 =	vld [tilespmem:s12+$0x70]  }
0xac: {  	s21 =	sor.u32 $0x8030, s30;
	v6 =	vld [tilespmem:s25+$0x0]  }
0xad: {  	s13 =	sor.u32 $0x8040, s30;
	v10 =	vld [tilespmem:s21+$0x0]  }
0xae: {  	s19 =	sor.u32 $0x8050, s30;
	v11 =	vld [tilespmem:s13+$0x0];
	v4 =	vmul.f32 $3.200000000e+01, v4  }
0xaf: {  	s11 =	sor.u32 $0x8060, s30;
	v12 =	vld [tilespmem:s19+$0x0]  }
0xb0: {  	v14 =	vld [tilespmem:s11+$0x0];
	v4 =	vadd.f32 v4, v15  }
0xb1: {  	v9 =	vld [tilespmem:s12+$0x10]  }
0xb2: {  	s22 =	sor.u32 $0x10070, s30;
	v8 =	vld [tilespmem:s12+$0x20];
	[tilespmem:s24+$0x0] =	vst v4  }
0xb3: {  	v13 =	vld [tilespmem:s22+$0x0]  }
0xb4: {  	v7 =	vld [tilespmem:s12+$0x30];
	v4 =	vmul.f32 $3.200000000e+01, v5  }
0xb5: {  	v16 =	vmul.f32 $3.200000000e+01, v6;
	v6 =	vld [tilespmem:s12+$0x40]  }
0xb6: {  	v5 =	vld [tilespmem:s12+$0x50];
	v17 =	vadd.f32 v4, v9  }
0xb7: {  	v18 =	vmul.f32 $3.200000000e+01, v10;
	v16 =	vadd.f32 v16, v8;
	v4 =	vld [tilespmem:s12+$0x60]  }
0xb8: {  	s23 =	sor.u32 $0x10010, s30;
	v19 =	vmul.f32 $3.200000000e+01, v11;
	v10 =	vld [tilespmem:s30+$0x8000];
	[tilespmem:s16+$0x0] =	vst v17;
	v20 =	vmul.f32 $3.200000000e+01, v13  }
0xb9: {  	s20 =	simm.s32 $0x0;
	s7 =	sor.u32 $0x10020, s30;
	s18 =	sor.u32 $0x10040, s30;
	[tilespmem:s25+$0x0] =	vst v16;
	v17 =	vadd.f32 v18, v7;
	v11 =	vld [tilespmem:s23+$0x0];
	v13 =	vmul.f32 $3.200000000e+01, v12  }
0xba: {  	s3 =	sor.u32 $0x10050, s30;
	s0 =	sor.u32 $0x10060, s30;
	v14 =	vmul.f32 $3.200000000e+01, v14;
	s24 =	sor.u32 $0x10030, s30;
	v16 =	vadd.f32 v19, v6;
	v12 =	vld [tilespmem:s7+$0x0];
	v15 =	vadd.f32 v20, v15  }
.LBB2_11:
0xbb: {  	s20 =	sadd.s32 $0x8, s20;
	v18 =	vld [tilespmem:s30+$0x10000];
	[tilespmem:s21+$0x0] =	vst v17;
	v13 =	vadd.f32 v13, v5;
	s31 =	sadd.s32 $0x400, s31  }
0xbc: {  	s16 =	sshll.u32 s20, $0x4;
	s21 =	sand.u32 $0x1C00, s31;
	p0 =	slt.u32 s20, $0x3F8;
	v17 =	vld [tilespmem:s24+$0x0];
	v14 =	vadd.f32 v14, v4;
	[tilespmem:s22+$0x0] =	vst v15  }
0xbd: {  	s2 =	sand.u32 $0x2000, s16;
	s16 =	sshll.u32 s20, $0x1;
	s22 =	sor.u32 s29, s21;
	v15 =	vld [tilespmem:s12+$0x0];
	v10 =	vmul.f32 $3.200000000e+01, v10;
	[tilespmem:s13+$0x0] =	vst v16  }
0xbe: {  	s12 =	sand.u32 $0x380, s16;
	s13 =	sor.u32 s2, s22;
	v11 =	vmul.f32 $3.200000000e+01, v11;
	v16 =	vld [tilespmem:s18+$0x0];
	[tilespmem:s19+$0x0] =	vst v13  }
0xbf: {  	s5 =	sor.u32 s12, s13;
	v12 =	vmul.f32 $3.200000000e+01, v12;
	v13 =	vld [tilespmem:s3+$0x0];
	[tilespmem:s11+$0x0] =	vst v14  }
0xc0: {  	s25 =	sor.u32 $0x8010, s5;
	s16 =	sor.u32 $0x8020, s5;
	s22 =	sor.u32 $0x8070, s5;
	v14 =	vmul.f32 $3.200000000e+01, v18;
	v9 =	vadd.f32 v11, v9;
	v11 =	vld [tilespmem:s0+$0x0]  }
0xc1: {  	s2 =	sor.u32 s21, s2;
	s21 =	sor.u32 $0x8030, s5;
	s13 =	sor.u32 $0x8040, s5;
	v18 =	vld [tilespmem:s22+$0x0];
	v8 =	vadd.f32 v12, v8;
	v12 =	vmul.f32 $3.200000000e+01, v17  }
0xc2: {  	s12 =	sor.u32 s12, s2;
	s19 =	sor.u32 $0x8050, s5;
	s11 =	sor.u32 $0x8060, s5;
	v17 =	vld [tilespmem:s25+$0x0];
	v10 =	vadd.f32 v10, v15;
	v14 =	vadd.f32 v14, v15;
	[tilespmem:s23+$0x0] =	vst v9  }
0xc3: {  	s2 =	sor.u32 $0x10030, s5;
	s23 =	sor.u32 $0x10010, s5;
	v15 =	vld [tilespmem:s12+$0x70];
	[tilespmem:s7+$0x0] =	vst v8;
	s7 =	sor.u32 $0x10020, s5;
	v7 =	vadd.f32 v12, v7;
	v8 =	vmul.f32 $3.200000000e+01, v16  }
0xc4: {  	s6 =	sor.u32 $0x10040, s5;
	s1 =	sor.u32 $0x10050, s5;
	s8 =	sor.u32 $0x10060, s5;
	v12 =	vld [tilespmem:s16+$0x0];
	[tilespmem:s30+$0x8000] =	vst v10;
	v9 =	vmul.f32 $3.200000000e+01, v13  }
0xc5: {  	v10 =	vld [tilespmem:s21+$0x0];
	[tilespmem:s24+$0x0] =	vst v7;
	v6 =	vadd.f32 v8, v6;
	v7 =	vmul.f32 $3.200000000e+01, v11;
	s24 =	smov.u32 s2  }
0xc6: {  	v11 =	vld [tilespmem:s13+$0x0];
	v8 =	vmul.f32 $3.200000000e+01, v18;
	[tilespmem:s30+$0x10000] =	vst v14;
	v5 =	vadd.f32 v9, v5;
	s30 =	smov.u32 s5  }
0xc7: {  	v16 =	vmul.f32 $3.200000000e+01, v17;
	v13 =	vld [tilespmem:s19+$0x0];
	[tilespmem:s18+$0x0] =	vst v6;
	v4 =	vadd.f32 v7, v4;
	s18 =	smov.u32 s6  }
0xc8: {  	v14 =	vld [tilespmem:s11+$0x0];
	v6 =	vadd.f32 v8, v15;
	[tilespmem:s3+$0x0] =	vst v5;
	s3 =	smov.u32 s1  }
0xc9: {  	v9 =	vld [tilespmem:s12+$0x10];
	v12 =	vmul.f32 $3.200000000e+01, v12;
	[tilespmem:s0+$0x0] =	vst v4;
	s0 =	smov.u32 s8  }
0xca: {  	v8 =	vld [tilespmem:s12+$0x20];
	v17 =	vmul.f32 $3.200000000e+01, v10;
	[tilespmem:s22+$0x0] =	vst v6;
	s22 =	sor.u32 $0x10070, s30  }
0xcb: {  	v18 =	vmul.f32 $3.200000000e+01, v11;
	v11 =	vld [tilespmem:s22+$0x0]  }
0xcc: {  	v7 =	vld [tilespmem:s12+$0x30];
	v13 =	vmul.f32 $3.200000000e+01, v13  }
0xcd: {  	v6 =	vld [tilespmem:s12+$0x40];
	v14 =	vmul.f32 $3.200000000e+01, v14  }
.Ltmp4:
0xce: {  	v16 =	vadd.f32 v16, v9;
	v5 =	vld [tilespmem:s12+$0x50];
	(pc) =	sbr.rel @p0 .LBB2_11-.Ltmp4, $4  }
0xcf: {  	v12 =	vadd.f32 v12, v8;
	v4 =	vld [tilespmem:s12+$0x60]  }
0xd0: {  	v10 =	vld [tilespmem:s30+$0x8000];
	[tilespmem:s25+$0x0] =	vst v16;
	v19 =	vmul.f32 $3.200000000e+01, v11  }
0xd1: {  	v11 =	vld [tilespmem:s23+$0x0];
	[tilespmem:s16+$0x0] =	vst v12;
	v17 =	vadd.f32 v17, v7  }
0xd2: {  	v12 =	vld [tilespmem:s7+$0x0];
	v16 =	vadd.f32 v18, v6;
	v15 =	vadd.f32 v19, v15  }
0xd3: {  	v18 =	vld [tilespmem:s30+$0x10000]  }
0xd4: {  	[tilespmem:s21+$0x0] =	vst v17;
	v13 =	vadd.f32 v13, v5;
	v54 =	vld [tilespmem:s12+$0x0]  }
0xd5: {  	v17 =	vld [tilespmem:s24+$0x0];
	[tilespmem:s13+$0x0] =	vst v16  }
0xd6: {  	v14 =	vadd.f32 v14, v4;
	[tilespmem:s19+$0x0] =	vst v13;
	v55 =	vld [tilespmem:s18+$0x0];
	v11 =	vmul.f32 $3.200000000e+01, v11  }
0xd7: {  	v10 =	vmul.f32 $3.200000000e+01, v10;
	v56 =	vld [tilespmem:s3+$0x0]  }
0xd8: {  	[tilespmem:s11+$0x0] =	vst v14;
	v12 =	vmul.f32 $3.200000000e+01, v12;
	v9 =	vadd.f32 v11, v9  }
0xd9: {  	[tilespmem:s22+$0x0] =	vst v15;
	v57 =	vld [tilespmem:s0+$0x0];
	v59 =	vmul.f32 $3.200000000e+01, v18;
	v10 =	vadd.f32 v10, v54  }
0xda: {  	v8 =	vadd.f32 v12, v8;
	v58 =	vmul.f32 $3.200000000e+01, v17;
	[tilespmem:s23+$0x0] =	vst v9  }
0xdb: {  	v60 =	vmul.f32 $3.200000000e+01, v55;
	v61 =	vadd.f32 v59, v54;
	[tilespmem:s30+$0x8000] =	vst v10  }
0xdc: {  	[tilespmem:s7+$0x0] =	vst v8;
	v7 =	vadd.f32 v58, v7;
	v62 =	vmul.f32 $3.200000000e+01, v56  }
0xdd: {  	v6 =	vadd.f32 v60, v6;
	[tilespmem:s30+$0x10000] =	vst v61  }
0xde: {  	v63 =	vmul.f32 $3.200000000e+01, v57;
	[tilespmem:s24+$0x0] =	vst v7;
	v5 =	vadd.f32 v62, v5  }
0xdf: {  	[tilespmem:s18+$0x0] =	vst v6  }
0xe0: {  	s1 =	sshll.u32 s26, $0x10;
	s25 =	rddreg [dreg:$0x4];
	s26 =	sadd.s32 $0x1, s26;
	v4 =	vadd.f32 v63, v4;
	[tilespmem:s3+$0x0] =	vst v5  }
0xe1: {  	p0 =	sne.s32 s26, $0x40;
	s2 =	rddreg [dreg:$0x8]  }
.Ltmp5:
0xe2: {  	s23 =	sor.u32 $0x8000, s29;
	[tilespmem:s0+$0x0] =	vst v4;
	s1 =	sor.u32 s2, s1;
	(pc) =	sbr.rel @p0 .LBB2_6-.Ltmp5, $4  }
0xe3: {  	s24 =	sor.u32 $0x6, s28;
	s31 =	rddreg [dreg:$0x7];
	s3 =	sadd.s32 s25, s1  }
0xe4: {  	[hbm4b:s3+s4] =	stream.linear.scatter [tilespmem:s23], [sflag:s24], $0x4000, $0x38;
	[tilespmem:$0x1C000] =	vst v63  }
0xe5: {  	s29 =	sor.u32 $0x10000, s29;
	s30 =	sor.u32 $0x8, s28;
	s1 =	sadd.s32 s31, s1  }
0xe6: {  	[hbm4b:s1+s4] =	stream.linear.scatter [tilespmem:s29], [sflag:s30], $0x4000, $0x38;
	[tilespmem:$0x1C000] =	vst v63  }
0xe7: {  	s0 =	simm.s32 $0x6  }
0xe8: {  	_ =	swait.ge [sflag:s0], $0x4000  }
0xe9: {  	[sflag:s0] =	ssyncset.done $0x0  }
0xea: {  	s24 =	simm.s32 $0x8;
	[sflag:s0] =	ssyncadd.s32 $0xFFFFC000  }
0xeb: {  	_ =	swait.ge [sflag:s24], $0x4000  }
0xec: {  	[sflag:s24] =	ssyncset.done $0x0  }
0xed: {  	s25 =	simm.s32 $0x7;
	[sflag:s24] =	ssyncadd.s32 $0xFFFFC000  }
0xee: {  	_ =	swait.ge [sflag:s25], $0x4000  }
0xef: {  	[sflag:s25] =	ssyncset.done $0x0  }
0xf0: {  	s26 =	simm.s32 $0x9;
	[sflag:s25] =	ssyncadd.s32 $0xFFFFC000  }
0xf1: {  	_ =	swait.ge [sflag:s26], $0x4000  }
0xf2: {  	[sflag:s26] =	ssyncset.done $0x0  }
0xf3: {  	s1 =	simm.s32 $0x18000;
	s28 =	rddreg [dreg:$0xb];
	[sflag:s26] =	ssyncadd.s32 $0xFFFFC000  }
0xf4: {  	[hbm4b:s28+s4] =	stream.linear.scatter [tilespmem:s1], [sflag:$0xA], $0x2000, $0x38;
	[tilespmem:$0x1C000] =	vst v63  }
0xf5: {  	s1 =	simm.s32 $0xA  }
0xf6: {  	_ =	swait.ge [sflag:s1], $0x2000  }
0xf7: {  	[sflag:s1] =	ssyncset.done $0x0  }
0xf8: {  	s2 =	simm.s32 $0x1A000;
	s29 =	rddreg [dreg:$0xc];
	[sflag:s1] =	ssyncadd.s32 $0xFFFFE000  }
0xf9: {  	[hbm4b:s29+s4] =	stream.linear.scatter [tilespmem:s2], [sflag:$0xA], $0x2000, $0x38;
	[tilespmem:$0x1C000] =	vst v63  }
0xfa: {  	_ =	swait.ge [sflag:s1], $0x2000  }
0xfb: {  	s30 =	rddreg [dreg:$0xe]  }
0xfc: {  	s31 =	rddreg [dreg:$0xd];
	s2 =	sadd.s32 $0x1, s30  }
0xfd: {  	p0 =	sne.s32 s2, s31  }
.Ltmp6:
0xfe: {  	_ = 	snop;
	(pc) =	sbr.rel @p0 .LBB2_1-.Ltmp6, $3  }
0xff: {  	_ =	sdelay $0x1  }
0x100: {  	[sflag:s1] =	ssyncset.done $0x0  }
0x101: {  	[sflag:s1] =	ssyncadd.s32 $0xFFFFE000  }
0x102: {  	_ =	sfence.sel $0x180000  }
0x103: {  	[bflag:$0x0] =	sbarrier.arrive $0xFFFF  }
0x104: {  	_ =	strace $0x90000047  }
0x105: {  	s0 =	stileid.u32;
	[bflag:$0x2] =	sbarrier.arrive $0xFFFF  }
0x106: {  	p0 =	sne.s32 s0, $0x0;
	s0 =	rddreg [dreg:$0x6]  }
0x107: {  	s0 =	sadd.s32 @!p0 $0x100000, s0  }
0x108: {  	[sflag:s0] =	ssyncadd.tile.s32 @!p0 $0x1;
	_ =	shalt  }
.Lfunc_end2:
_tile_overlayer_lowered:
.L_overlay_start_2:
0x109: {  	(tag) =	ssettag $0x2  }
0x10a: {  	s0 =	rddreg [dreg:$0x0];
	s2 =	stileid.u32  }
0x10b: {  	s1 =	rddreg [dreg:$0x1];
	p0 =	sne.s32 s2, $0x0  }
0x10c: {  	s3 =	rddreg [dreg:$0x2];
	[bflag:$0x3] =	sbarrier.arrive $0xFFFF;
	s2 =	simm.s32 @!p0 $0x1C0A  }
0x10d: {  	[timem:s3], [sflag:s2] =	dma.local @!p0 [hbm:s0], s1  }
0x10e: {  	s0 =	simm.s32 @!p0 $0xA  }
0x10f: {  	_ =	swait.ge @!p0 [sflag:s0], s1  }
0x110: {  	s1 =	ssub.s32 @!p0 $0x0, s1;
	[sflag:s0] =	ssyncset.done @!p0 $0x0  }
0x111: {  	[sflag:s0] =	ssyncadd.s32 @!p0 s1  }
0x112: {  	[bflag:$0x3] =	sbarrier.arrive $0xFFFF  }
0x113: {  	_ =	shalt  }

// kernel: sparse-core-data-format-call.cloned.1.call-start
scs
called_computation_lowered:
.L_overlay_start_0:
0x0: {  	s2 =	sld [smem:$0x3FD9]  }
0x1: {  	s3 =	sld [smem:$0x3FFE];
	_ =	sdelay $0x1  }
0x2: {  	s1 =	srdreg.scid  }
0x3: {  	s0 =	sand.u32 $0x1, s1  }
0x4: {  	s15 =	sshll.u32 s0, $0xA;
	s2 =	sadd.s32 s3, s2  }
0x5: {  	s2 =	sadd.s32 s2, s15  }
0x6: {  	[smem:$0x3FC4] =	sst s2  }
0x7: {  	_ = 	snop  }
0x8: {  	s2 =	sld [smem:$0x3FD0];
	_ =	sdelay $0x2  }
0x9: {  	s16 =	simm.s32 $0xA;
	s4 =	simm.s32 $0x10  }
0xa: {  	[smem:s4], [sflag:s16] =	dma.local [hbm:s2], $0x1  }
0xb: {  	_ =	swait.eq [sflag:s16], $0x1  }
0xc: {  	[sflag:s16] =	ssyncset.done $0x0  }
0xd: {  	[sflag:s16] =	ssyncadd.s32 $0xFFFFFFFF  }
0xe: {  	s17 =	sld [smem:$0x13];
	(tm) =	ssettm $0x1  }
0xf: {  	s18 =	sld [smem:$0x3FFB];
	_ =	sdelay $0x3  }
0x10: {  	_ =	strace s18  }
0x11: {  	s3 =	sld [smem:$0x3FFC];
	_ =	sdelay $0x3  }
0x12: {  	_ =	strace s3  }
0x13: {  	s3 =	sld [smem:$0x3FFD];
	_ =	sdelay $0x3  }
0x14: {  	_ =	strace s3  }
0x15: {  	_ =	strace $0x8FFFFFFF  }
0x16: {  	s19 =	sld [smem:$0x3FDB];
	_ =	sdelay $0x1  }
0x17: {  	s20 =	simm.s32 $_scs_section_size  }
0x18: {  	s5 =	simm.s32 $_size__tile_overlayer_lowered;
	s6 =	simm.s32 $_tile_overlayer_lowered  }
0x19: {  	s23 =	simm.s32 $0x1BFF;
	s22 =	sshll.u32 s6, $0x1;
	s3 =	sadd.s32 s20, s19  }
0x1a: {  	s7 =	simm.s32 $0x0;
	s21 =	sshll.u32 s5, $0x1;
	s5 =	sadd.s32 s22, s3  }
0x1b: {  	[timem:s7], [sflag:s23] =	dma.local [hbm:s5], s21  }
0x1c: {  	_ =	swait.ge [sflag:s23], s21  }
0x1d: {  	s4 =	ssub.s32 $0x0, s21;
	[sflag:s23] =	ssyncset.done $0x0  }
0x1e: {  	[sflag:s23] =	ssyncadd.s32 s4;
	_ =	sdelay $0x1  }
0x1f: {  	s24 =	simm.s32 $0x1B8B  }
0x20: {  	_ =	swait.ge [sflag:s24], $0x1  }
0x21: {  	[sflag:s24] =	ssyncset.done $0x0  }
0x22: {  	s26 =	simm.s32 $0x1B8E;
	s25 =	sld [smem:$0x3FFE];
	[sflag:s24] =	ssyncadd.s32 $0xFFFFFFFF  }
0x23: {  	s27 =	simm.s32 $execute0_lowered;
	[smem:$0x3FD2] =	sst s26  }
0x24: {  	s5 =	sshll.u32 s27, $0x1;
	_ =	strace $0x80000049;
	[dreg:$0x1] =	wrdreg $0xFFFFFFFF  }
0x25: {  	s28 =	simm.s32 $_size_execute0_lowered;
	s3 =	sadd.s32 s3, s5;
	[dreg:$0x0] =	wrdreg $0x0  }
0x26: {  	s5 =	sshll.u32 s28, $0x1;
	[dreg:$0x2] =	wrdreg s3  }
0x27: {  	[dreg:$0x3] =	wrdreg s5  }
0x28: {  	[dreg:$0x4] =	wrdreg $0xC0  }
0x29: {  	_ =	task [dreg:s7], $0x5FFFF  }
0x2a: {  	[dreg:$0x1] =	wrdreg $0xFFFFFFFF  }
0x2b: {  	[dreg:$0x0] =	wrdreg $0x60  }
0x2c: {  	[dreg:$0x2] =	wrdreg s25  }
0x2d: {  	[dreg:$0x3] =	wrdreg s17  }
0x2e: {  	[dreg:$0x4] =	wrdreg $0x9  }
0x2f: {  	_ =	task.clear_ibuf [dreg:s7], $0x5FFFF;
	_ =	strace $0x90000049  }
0x30: {  	s29 =	simm.s32 $0x9;
	_ =	strace $0x8000004B  }
0x31: {  	_ =	swait.ge [sflag:s29], $0x1  }
0x32: {  	[sflag:s29] =	ssyncadd.s32 $0xFFFFFFFF  }
0x33: {  	_ =	strace $0x9000004B  }
0x34: {  	_ =	sfence  }
0x35: {  	s30 =	sld [smem:$0x0];
	_ =	sdelay $0x2  }
0x36: {  	s31 =	sshll.u32 s1, $0xD;
	s1 =	sshrl.u32 s1, $0x2  }
0x37: {  	s3 =	sand.u32 $0x4000, s31;
	s1 =	sadd.s32 s1, s30  }
0x38: {  	s0 =	sor.u32 s3, s0;
	s1 =	sshll.u32 s1, $0x11  }
0x39: {  	s0 =	sor.u32 s1, s0  }
0x3a: {  	s0 =	sadd.s32 $0x8F2B, s0  }
0x3b: {  	[sflag:s0] =	ssyncadd.remote.s32 $0x1  }
0x3c: {  	_ =	sfence.sel $0xFFFF  }
0x3d: {  	[dreg:$0x0] =	wrdreg $0xFFFFFFFF;
	(pc) =	sbr.abs _section_cstart, $3  }
0x3e: {  	[dreg:$0x1] =	wrdreg $0xFFFFFFFF  }
0x3f: {  	_ =	task.clear_ibuf [dreg:s7], $0x2FFFF;
	_ =	strace $0x9FFFFFFF  }
0x40: {  	(tm) =	ssettm $0x7FFFFFFF  }
0x41: {  	_ =	shalt  }
tec
execute0_lowered:
.L_overlay_start_1:
0x0: {  	(tag) =	ssettag $0x1  }
0x1: {  	s1 =	rddreg [dreg:$0x0]  }
0x2: {  	s2 =	rddreg [dreg:$0x1]  }
0x3: {  	s0 =	rddreg [dreg:$0x2]  }
0x4: {  	s4 =	srdreg.scid;
	_ =	strace $0x8000004A;
	s6 =	simm.s32 $0x2  }
0x5: {  	s14 =	simm.s32 $0x0;
	p0 =	por $0x0, $0x0;
	s16 =	simm.s32 $0x0  }
0x6: {  	s15 =	simm.s32 $0x0;
	s7 =	simm.s32 $0x0;
	s9 =	simm.s32 $0x0  }
.Ltmp0:
0x7: {  	s10 =	simm.s32 $0x0;
	s11 =	simm.s32 $0x0;
	(pc) =	sbr.rel .LBB1_1-.Ltmp0, $4  }
0x8: {  	s12 =	simm.s32 $0x0;
	s3 =	sadd.s32 $0x11400, s1;
	s4 =	sshll.u32 s4, $0x4  }
0x9: {  	s1 =	stileid.u32;
	s5 =	sand.u32 $0x10, s4;
	s4 =	simm.s32 $0x1  }
0xa: {  	s8 =	simm.s32 $0x0;
	s5 =	sor.u32 s1, s5;
	[sflag:s4] =	ssyncpa.u1 $0x0  }
0xb: {  	[sflag:s6] =	ssyncpa.u1 $0x0;
	s6 =	simm.s32 $0x10000;
	s13 =	smov.u32 s5  }
.LBB1_5:
0xc: {  	p1 =	slt.u32 s8, $0x2  }
0xd: {  	s17 =	smov.u32 s16;
	p2 =	sgt.s32 @!p1 s16, $0x17F  }
0xe: {  	s18 =	sshra.s32 @!p1 s16, $0x1F;
	s19 =	sshra.s32 @!p1 s15, $0x1F;
	p2 =	por !p2, p1  }
0xf: {  	s16 =	sand.u32 @!p1 s18, s16;
	s17 =	simm.s32 @p2 $0x17F;
	p2 =	sgt.s32 @!p1 s15, $0x3F  }
0x10: {  	s18 =	smov.u32 s15;
	p2 =	por !p2, p1;
	s16 =	ssub.s32 @!p1 s17, s16  }
0x11: {  	s15 =	sand.u32 @!p1 s19, s15;
	s18 =	simm.s32 @p2 $0x3F;
	s17 =	sadd.s32 @!p1 $0xFFFFFE81, s16  }
0x12: {  	p2 =	sgt.s32 @!p1 s14, $0x380;
	s15 =	ssub.s32 @!p1 s18, s15;
	p3 =	sgt.s32 @!p1 s17, $0x7F  }
0x13: {  	p2 =	por !p2, p1;
	s18 =	smov.u32 s14;
	s17 =	sadd.s32 @!p1 $0xFFFFFFC1, s15  }
0x14: {  	s18 =	simm.s32 @p2 $0x380;
	p2 =	sgt.s32 @!p1 s17, $0x0;
	s17 =	sshra.s32 @!p1 s14, $0x1F  }
0x15: {  	s16 =	ssub.s32 @!p1 $0x1FF, s16;
	p3 =	por !p3, p1;
	s14 =	sand.u32 @!p1 s17, s14  }
0x16: {  	s15 =	ssub.s32 @!p1 $0x40, s15;
	p2 =	por !p2, p1;
	s14 =	ssub.s32 @!p1 s18, s14  }
0x17: {  	s16 =	simm.s32 @!p3 $0x0;
	s15 =	simm.s32 @!p2 $0x0;
	s17 =	sadd.s32 @!p1 $0xFFFFFC80, s14  }
0x18: {  	s18 =	smov.u32 s12;
	s15 =	smul.u32 @!p1 s15, s16;
	p2 =	sgt.s32 @!p1 s17, $0x7F  }
0x19: {  	s14 =	ssub.s32 @!p1 $0x400, s14;
	s17 =	sadd.s32 $0x80, s11;
	p2 =	por !p2, p1  }
0x1a: {  	s16 =	sadd.s32 $0x80, s12;
	s14 =	simm.s32 @!p2 $0x0;
	p2 =	sgt.s32 s17, $0x3FF  }
0x1b: {  	s19 =	smov.u32 s13;
	s18 =	smov.u32 @p2 s16  }
0x1c: {  	s14 =	smul.u32 @!p1 s14, s15;
	s15 =	sadd.s32 $0x20, s13;
	p3 =	sgt.s32 s18, $0x1FE  }
0x1d: {  	s8 =	sadd.s32 $0x1, s8;
	p0 =	por !p0, !p0;
	s19 =	smov.u32 @p3 s15  }
0x1e: {  	s20 =	simm.s32 @!p1 $0x2;
	s17 =	simm.s32 @p2 $0x0;
	p2 =	sgt.s32 s19, $0x3F  }
0x1f: {  	s16 =	smov.u32 s9;
	s19 =	smov.u32 @p2 s5;
	p2 =	sne.s32 s8, $0x42  }
.Ltmp1:
0x20: {  	s9 =	smov.u32 s12;
	s14 =	sand.u32 @!p1 $0x3FFFFFFF, s14;
	(pc) =	sbr.rel @!p2 .LBB1_6-.Ltmp1, $4  }
0x21: {  	s18 =	simm.s32 @p3 $0x0;
	s15 =	smov.u32 s10;
	s10 =	smov.u32 s13  }
0x22: {  	_ =	swait.ge @!p1 [sflag:s20], s14;
	s21 =	ssub.s32 @!p1 $0x0, s14;
	s14 =	smov.u32 s7  }
0x23: {  	s7 =	smov.u32 s11;
	s11 =	smov.u32 s17;
	[sflag:s20] =	ssyncset.done @!p1 $0x0  }
0x24: {  	s12 =	smov.u32 s18;
	[sflag:s20] =	ssyncadd.s32 @!p1 s21;
	s13 =	smov.u32 s19  }
.LBB1_1:
0x25: {  	p1 =	sgt.u32 s8, $0x3F  }
0x26: {  	s17 =	sshll.u32 @!p1 s12, $0x7  }
0x27: {  	s18 =	sxor.u32 @!p1 $0xFFFFFFFF, s8;
	s19 =	sand.u32 @!p1 $0x78, s11;
	s20 =	sand.u32 @!p1 $0x380, s17  }
0x28: {  	s18 =	sshll.u32 @!p1 s18, $0xE;
	s19 =	sor.u32 @!p1 s19, s20;
	s20 =	sshll.u32 @!p1 s13, $0x10  }
0x29: {  	s17 =	sand.u32 @!p1 $0xFC00, s17;
	s19 =	sshrl.u32 @!p1 s19, $0x3;
	s20 =	sadd.s32 @!p1 s3, s20  }
0x2a: {  	s17 =	sadd.s32 @!p1 s11, s17;
	s19 =	sadd.s32 @!p1 s19, s20;
	s20 =	sand.u32 @!p1 $0x7, s11  }
0x2b: {  	s18 =	sand.u32 @!p1 $0x4000, s18;
	s17 =	sand.u32 @!p1 $0xFF80, s17;
	s20 =	sshll.u32 @!p1 s20, $0x12  }
0x2c: {  	s17 =	sadd.s32 @!p1 s17, s19;
	s19 =	sor.u32 @!p1 $0x400, s20;
	s20 =	simm.s32 @!p1 $0x2000  }
0x2d: {  	[tilespmem:s18], [sflag:$0x1] =	stream.strided.gather @!p1 [hbm4b:s17+s19], $0x4000, s20, s19, $0x38;
	[tilespmem:$0x10000] =	vst v63  }
0x2e: {  	p1 =	seq.s32 s8, $0x0  }
0x2f: {  	p2 =	seq.s32 @!p1 s8, $0x41  }
0x30: {  	p1 =	por p1, p2  }
.Ltmp2:
0x31: {  	_ = 	snop;
	(pc) =	sbr.rel @p1 .LBB1_5-.Ltmp2, $1  }
0x32: {  	_ =	sdelay $0x3  }
0x33: {  	s17 =	simm.s32 $0x1  }
0x34: {  	s17 =	simm.s32 @!p0 $0x0  }
0x35: {  	s17 =	sshll.u32 s17, $0xE  }
0x36: {  	s18 =	sor.u32 $0x40, s17  }
0x37: {  	v1 =	vmov s18;
	_ =	sdelay $0x1  }
0x38: {  	_ =	swait.ge [sflag:s4], $0x4000  }
0x39: {  	[sflag:s4] =	ssyncset.done $0x0  }
0x3a: {  	s19 =	simm.s32 $0x0;
	[sflag:s4] =	ssyncadd.s32 $0xFFFFC000  }
0x3b: {  	s17 =	sor.u32 $0x8070, s17;
	v4 =	vld.idx.msk [tilespmem:v1+s19+$0x30 ss:$0x1], $0xffff  }
0x3c: {  	v0 =	vmov s17;
	v8 =	vld.idx.msk [tilespmem:v1+s19+$0xFFFFFFC0 ss:$0x1], $0xffff  }
0x3d: {  	v7 =	vld.idx.msk [tilespmem:v1+s19+$0xFFFFFFD0 ss:$0x1], $0xffff  }
0x3e: {  	v6 =	vld.idx.msk [tilespmem:v1+s19+$0xFFFFFFE0 ss:$0x1], $0xffff  }
0x3f: {  	v5 =	vld.idx.msk [tilespmem:v1+s19+$0xFFFFFFF0 ss:$0x1], $0xffff  }
0x40: {  	s31 =	sshll.u32 s8, $0xE;
	v3 =	vld.idx.msk [tilespmem:v1+s19+$0x0 ss:$0x1], $0xffff  }
0x41: {  	s17 =	sand.u32 $0x4000, s31;
	v2 =	vld.idx.msk [tilespmem:v1+s19+$0x10 ss:$0x1], $0xffff;
	[tilespmem:v0+s19+$0x0 ss:$0x1] =	vst.idx.msk $0xffff, v4  }
0x42: {  	s20 =	simm.s32 $0x400;
	s18 =	simm.s32 $0x80;
	s17 =	sor.u32 $0x8000, s17;
	[tilespmem:v0+s19+$0xFFFFFF90 ss:$0x1] =	vst.idx.msk $0xffff, v8;
	v4 =	vld.idx.msk [tilespmem:v1+s19+$0x20 ss:$0x1], $0xffff  }
.LBB1_3:
0x43: {  	p1 =	sne.s32 s20, $0xFE00;
	v8 =	vld.idx.msk [tilespmem:v1+s18+$0x30 ss:$0x1], $0xffff;
	[tilespmem:v0+s19+$0xFFFFFFA0 ss:$0x1] =	vst.idx.msk $0xffff, v7  }
0x44: {  	v9 =	vld.idx.msk [tilespmem:v1+s18+$0xFFFFFFC0 ss:$0x1], $0xffff;
	[tilespmem:v0+s19+$0xFFFFFFB0 ss:$0x1] =	vst.idx.msk $0xffff, v6  }
0x45: {  	v7 =	vld.idx.msk [tilespmem:v1+s18+$0xFFFFFFD0 ss:$0x1], $0xffff;
	[tilespmem:v0+s19+$0xFFFFFFC0 ss:$0x1] =	vst.idx.msk $0xffff, v5  }
.Ltmp3:
0x46: {  	v6 =	vld.idx.msk [tilespmem:v1+s18+$0xFFFFFFE0 ss:$0x1], $0xffff;
	[tilespmem:v0+s19+$0xFFFFFFD0 ss:$0x1] =	vst.idx.msk $0xffff, v3;
	(pc) =	sbr.rel @p1 .LBB1_3-.Ltmp3, $4  }
0x47: {  	v5 =	vld.idx.msk [tilespmem:v1+s18+$0xFFFFFFF0 ss:$0x1], $0xffff;
	[tilespmem:v0+s19+$0xFFFFFFE0 ss:$0x1] =	vst.idx.msk $0xffff, v2  }
0x48: {  	v3 =	vld.idx.msk [tilespmem:v1+s18+$0x0 ss:$0x1], $0xffff;
	[tilespmem:v0+s19+$0xFFFFFFF0 ss:$0x1] =	vst.idx.msk $0xffff, v4;
	s19 =	smov.u32 s18  }
0x49: {  	v2 =	vld.idx.msk [tilespmem:v1+s19+$0x10 ss:$0x1], $0xffff;
	[tilespmem:v0+s19+$0x0 ss:$0x1] =	vst.idx.msk $0xffff, v8  }
0x4a: {  	s18 =	sshra.s32 s20, $0x2;
	s20 =	sadd.s32 $0x200, s20;
	[tilespmem:v0+s19+$0xFFFFFF90 ss:$0x1] =	vst.idx.msk $0xffff, v9;
	v4 =	vld.idx.msk [tilespmem:v1+s19+$0x20 ss:$0x1], $0xffff  }
0x4b: {  	_ = 	snop  }
0x4c: {  	p1 =	sgt.s32 s9, $0x17F  }
0x4d: {  	s20 =	smov.u32 s9;
	s21 =	sshra.s32 s9, $0x1F;
	s23 =	sshra.s32 s10, $0x1F  }
0x4e: {  	s24 =	sshra.s32 s7, $0x1F;
	s29 =	sand.u32 $0x78, s7;
	s30 =	sshll.u32 s10, $0x7  }
0x4f: {  	[tilespmem:v0+s19+$0xFFFFFFA0 ss:$0x1] =	vst.idx.msk $0xffff, v7;
	s25 =	sshll.u32 s9, $0xD;
	s20 =	simm.s32 @!p1 $0x17F;
	s21 =	sand.u32 s21, s9  }
0x50: {  	v56 =	vld.idx.msk [tilespmem:v1+s18+$0x30 ss:$0x1], $0xffff;
	[tilespmem:v0+s19+$0xFFFFFFB0 ss:$0x1] =	vst.idx.msk $0xffff, v6;
	p1 =	sgt.s32 s10, $0x3F;
	s26 =	sand.u32 s23, s10;
	s28 =	sand.u32 s24, s7  }
0x51: {  	v57 =	vld.idx.msk [tilespmem:v1+s18+$0xFFFFFFC0 ss:$0x1], $0xffff;
	[tilespmem:v0+s19+$0xFFFFFFC0 ss:$0x1] =	vst.idx.msk $0xffff, v5;
	s24 =	sand.u32 $0x380, s30;
	s20 =	ssub.s32 s20, s21;
	s21 =	smov.u32 s10  }
0x52: {  	v58 =	vld.idx.msk [tilespmem:v1+s18+$0xFFFFFFD0 ss:$0x1], $0xffff;
	[tilespmem:v0+s19+$0xFFFFFFD0 ss:$0x1] =	vst.idx.msk $0xffff, v3;
	s22 =	sadd.s32 $0xFFFFFE81, s20;
	s21 =	simm.s32 @!p1 $0x3F;
	s20 =	ssub.s32 $0x1FF, s20  }
0x53: {  	v59 =	vld.idx.msk [tilespmem:v1+s18+$0xFFFFFFE0 ss:$0x1], $0xffff;
	[tilespmem:v0+s19+$0xFFFFFFE0 ss:$0x1] =	vst.idx.msk $0xffff, v2;
	p1 =	sgt.s32 s22, $0x7F;
	s21 =	ssub.s32 s21, s26;
	s22 =	smov.u32 s7  }
0x54: {  	v60 =	vld.idx.msk [tilespmem:v1+s18+$0xFFFFFFF0 ss:$0x1], $0xffff;
	[tilespmem:v0+s19+$0xFFFFFFF0 ss:$0x1] =	vst.idx.msk $0xffff, v4;
	s20 =	simm.s32 @p1 $0x0;
	p1 =	sgt.s32 s7, $0x380;
	s27 =	sadd.s32 $0xFFFFFFC1, s21  }
0x55: {  	v61 =	vld.idx.msk [tilespmem:v1+s18+$0x0 ss:$0x1], $0xffff;
	s19 =	ssub.s32 $0x40, s21;
	[tilespmem:v0+s18+$0x0 ss:$0x1] =	vst.idx.msk $0xffff, v56;
	s22 =	simm.s32 @!p1 $0x380;
	p1 =	sgt.s32 s27, $0x0  }
0x56: {  	v62 =	vld.idx.msk [tilespmem:v1+s18+$0x10 ss:$0x1], $0xffff;
	s26 =	sand.u32 $0x7, s7;
	[tilespmem:v0+s18+$0xFFFFFF90 ss:$0x1] =	vst.idx.msk $0xffff, v57;
	s19 =	simm.s32 @p1 $0x0;
	s21 =	ssub.s32 s22, s28  }
0x57: {  	v63 =	vld.idx.msk [tilespmem:v1+s18+$0x20 ss:$0x1], $0xffff;
	[tilespmem:v0+s18+$0xFFFFFFA0 ss:$0x1] =	vst.idx.msk $0xffff, v58;
	s22 =	sand.u32 $0x1C00, s30;
	s19 =	smul.u32 s19, s20;
	s31 =	sadd.s32 $0xFFFFFC80, s21  }
0x58: {  	[tilespmem:v0+s18+$0xFFFFFFB0 ss:$0x1] =	vst.idx.msk $0xffff, v59;
	s21 =	ssub.s32 $0x400, s21;
	s20 =	sor.u32 s24, s29;
	p1 =	sgt.s32 s31, $0x7F  }
.Ltmp4:
0x59: {  	[tilespmem:v0+s18+$0xFFFFFFC0 ss:$0x1] =	vst.idx.msk $0xffff, v60;
	s22 =	sadd.s32 s7, s22;
	s21 =	simm.s32 @p1 $0x0;
	(pc) =	sbr.rel .LBB1_5-.Ltmp4, $4  }
0x5a: {  	[tilespmem:v0+s18+$0xFFFFFFD0 ss:$0x1] =	vst.idx.msk $0xffff, v61;
	s20 =	sshrl.u32 s20, $0x3;
	s19 =	smul.u32 s21, s19;
	s21 =	sadd.s32 s2, s25  }
0x5b: {  	[tilespmem:v0+s18+$0xFFFFFFE0 ss:$0x1] =	vst.idx.msk $0xffff, v62;
	s28 =	sshll.u32 s26, $0x12;
	s27 =	sand.u32 $0x1F80, s22;
	s20 =	sadd.s32 s20, s21  }
0x5c: {  	[tilespmem:v0+s18+$0xFFFFFFF0 ss:$0x1] =	vst.idx.msk $0xffff, v63;
	s31 =	sor.u32 $0x80, s28;
	s29 =	sand.u32 $0x3FFFFFFF, s19;
	s30 =	sadd.s32 s27, s20  }
0x5d: {  	[hbm4b:s30+s31] =	stream.strided.scatter [tilespmem:s17], [sflag:$0x2], s29, s6, s31, $0x38;
	[tilespmem:$0x10000] =	vst v63  }
.LBB1_6:
0x5e: {  	_ =	sfence.sel $0x180000  }
0x5f: {  	s2 =	simm.s32 $0x1;
	[bflag:$0x0] =	sbarrier.arrive $0xFFFF  }
0x60: {  	s31 =	simm.s32 $0x2;
	[sflag:s2] =	ssyncpa.u1 $0x1  }
0x61: {  	[sflag:s31] =	ssyncpa.u1 $0x1  }
0x62: {  	p0 =	sne.s32 s1, $0x0;
	_ =	strace $0x9000004A  }
0x63: {  	s0 =	sadd.s32 @!p0 $0x100000, s0;
	[bflag:$0x2] =	sbarrier.arrive $0xFFFF  }
0x64: {  	[sflag:s0] =	ssyncadd.tile.s32 @!p0 $0x1;
	_ =	shalt  }
.Lfunc_end1:
_tile_overlayer_lowered:
.L_overlay_start_2:
0x65: {  	(tag) =	ssettag $0x2  }
0x66: {  	s0 =	rddreg [dreg:$0x0];
	s2 =	stileid.u32  }
0x67: {  	s1 =	rddreg [dreg:$0x1];
	p0 =	sne.s32 s2, $0x0  }
0x68: {  	s3 =	rddreg [dreg:$0x2];
	[bflag:$0x3] =	sbarrier.arrive $0xFFFF;
	s2 =	simm.s32 @!p0 $0x1C01  }
0x69: {  	[timem:s3], [sflag:s2] =	dma.local @!p0 [hbm:s0], s1  }
0x6a: {  	s0 =	simm.s32 @!p0 $0x1  }
0x6b: {  	_ =	swait.ge @!p0 [sflag:s0], s1  }
0x6c: {  	s1 =	ssub.s32 @!p0 $0x0, s1;
	[sflag:s0] =	ssyncset.done @!p0 $0x0  }
0x6d: {  	[sflag:s0] =	ssyncadd.s32 @!p0 s1  }
0x6e: {  	[bflag:$0x3] =	sbarrier.arrive $0xFFFF  }
0x6f: {  	_ =	shalt  }

</sc_bundles>
